<compile_context>
chip_gen: v7x
topology: tpu7x:2x2x1
jax: 0.10.2.dev20260603
libtpu: 0.0.44.dev20260713+nightly
codegen_flags: <defaults>
</compile_context>

<pallas_src>
import functools

import jax
import jax.numpy as jnp
from jax import lax
from jax.experimental import pallas as pl
from jax.experimental.pallas import tpu as pltpu
from jax.experimental.pallas import tpu_sc as plsc

_CHUNK = 128
_G = 1
_PAD_BLK = 8000


def _pad_block(src_ref, dst_ref):
    dst_ref[:, : src_ref.shape[1]] = src_ref[...]
    dst_ref[:, src_ref.shape[1] :] = jnp.zeros(
        (src_ref.shape[0], dst_ref.shape[1] - src_ref.shape[1]), src_ref.dtype
    )


@functools.cache
def _build_pad(vocab, emb_dim):
    return pl.pallas_call(
        _pad_block,
        grid=(vocab // _PAD_BLK,),
        in_specs=[pl.BlockSpec((_PAD_BLK, emb_dim), lambda i: (i, 0))],
        out_specs=pl.BlockSpec((_PAD_BLK, 2 * emb_dim), lambda i: (i, 0)),
        out_shape=jax.ShapeDtypeStruct((vocab, 2 * emb_dim), jnp.float32),
    )


@functools.cache
def _build_gather(total, emb_dim, n_workers, num_cores):
    per_worker = total // n_workers
    chunks = per_worker // _CHUNK
    steps = chunks // _G
    rows_per_step = _G * _CHUNK
    mesh = plsc.VectorSubcoreMesh(core_axis_name="c", subcore_axis_name="s")

    @functools.partial(
        pl.kernel,
        mesh=mesh,
        out_type=jax.ShapeDtypeStruct((total, emb_dim), jnp.float32),
        scratch_types=[
            pltpu.VMEM((chunks, _CHUNK), jnp.int32),
            pltpu.VMEM((rows_per_step, 2 * emb_dim), jnp.float32),
            pltpu.VMEM((rows_per_step, 2 * emb_dim), jnp.float32),
            pltpu.VMEM((rows_per_step, emb_dim), jnp.float32),
            pltpu.VMEM((rows_per_step, emb_dim), jnp.float32),
            pltpu.SemaphoreType.DMA,
            pltpu.SemaphoreType.DMA,
            pltpu.SemaphoreType.DMA,
            pltpu.SemaphoreType.DMA,
        ],
        compiler_params=pltpu.CompilerParams(
            use_tc_tiling_on_sc=True, needs_layout_passes=False
        ),
    )
    def gather_kernel(
        idx_hbm, table_hbm, out_hbm,
        idx_v, buf0, buf1, packed0, packed1, sem0, sem1, wsem0, wsem1,
    ):
        wid = lax.axis_index("s") * num_cores + lax.axis_index("c")
        pltpu.sync_copy(idx_hbm.at[wid], idx_v)
        out_base = wid * per_worker
        bufs = (buf0, buf1)
        sems = (sem0, sem1)
        packs = (packed0, packed1)
        wsems = (wsem0, wsem1)

        def fire(t, buf, sem):
            for g in range(_G):
                pltpu.async_copy(
                    table_hbm.at[idx_v.at[t * _G + g]],
                    buf.at[pl.ds(g * _CHUNK, _CHUNK)],
                    sem,
                )

        def drain(buf, sem):
            pltpu.make_async_copy(
                table_hbm.at[pl.ds(0, rows_per_step)], buf, sem
            ).wait()

        def repack(buf, packed):
            def rows4(q, carry):
                for rr in range(4):
                    r = q * 4 + rr
                    for g in range(emb_dim // 16):
                        packed[r, pl.ds(g * 16, 16)] = buf[r, pl.ds(g * 16, 16)]
                return carry

            lax.fori_loop(0, rows_per_step // 4, rows4, 0)

        def fire_w(t, packed, wsem):
            pltpu.async_copy(
                packed,
                out_hbm.at[pl.ds(out_base + t * rows_per_step, rows_per_step)],
                wsem,
            )

        def drain_w(packed, wsem):
            pltpu.make_async_copy(
                out_hbm.at[pl.ds(0, rows_per_step)], packed, wsem
            ).wait()

        fire(0, buf0, sem0)
        fire(1, buf1, sem1)

        for b in range(2):
            drain(bufs[b], sems[b])
            repack(bufs[b], packs[b])
            fire_w(b, packs[b], wsems[b])
            fire(b + 2, bufs[b], sems[b])

        def step2(i, carry):
            tt = 2 + i * 2
            for b in range(2):
                t = tt + b
                drain(bufs[b], sems[b])
                drain_w(packs[b], wsems[b])
                repack(bufs[b], packs[b])
                fire_w(t, packs[b], wsems[b])
                fire(t + 2, bufs[b], sems[b])
            return carry

        lax.fori_loop(0, (steps - 4) // 2, step2, 0)

        for b in range(2):
            t = steps - 2 + b
            drain(bufs[b], sems[b])
            drain_w(packs[b], wsems[b])
            repack(bufs[b], packs[b])
            fire_w(t, packs[b], wsems[b])

        for b in range(2):
            drain_w(packs[b], wsems[b])

    return gather_kernel


def kernel(input_variable, embedding_weight):
    batch, hist = input_variable.shape
    vocab, emb_dim = embedding_weight.shape
    total = batch * hist
    info = plsc.get_sparse_core_info()
    n_workers = info.num_cores * info.num_subcores
    chunks = total // (n_workers * _CHUNK)

    table128 = _build_pad(vocab, emb_dim)(embedding_weight)

    idx = jnp.maximum(input_variable, 0).reshape(n_workers, chunks, _CHUNK)
    out = _build_gather(total, emb_dim, n_workers, info.num_cores)(idx, table128)
    return out.reshape(batch, hist, emb_dim)

# --- scband reference (transcript-rebuilt; emitter-appended) ---
"""Pipeline reference for scband-embedding-layer-74217034875304 (READ-ONLY COPY).

The authoritative reference and input builder live on the scoring server;
editing this copy changes nothing except your own understanding.
"""

import jax, jax.numpy as jnp
import numpy as np

VOCAB = 1000000
EMB_DIM = 64
BATCH = 4096
HIST = 200

def setup_inputs(seed: int = 0) -> dict:
    key = jax.random.key(seed)
    k_idx, k_tab = jax.random.split(key)
    input_variable = jax.random.randint(k_idx, (BATCH, HIST), 0, VOCAB, dtype=jnp.int32)
    # Learned parameter: embedding table (nn.Embedding(input_size, config.emsize))
    embedding_weight = jax.random.normal(k_tab, (VOCAB, EMB_DIM), dtype=jnp.float32)
    return {"input_variable": input_variable, "embedding_weight": embedding_weight}

def reference(input_variable, embedding_weight):
    # EmbeddingLayer.forward: self.embedding(input_variable)
    # With config.emtraining=False this is a plain nn.Embedding lookup
    # (no dropout branch). Pure gather from the table.
    return jnp.take(embedding_weight, input_variable, axis=0)

if __name__ == "__main__":
    import jax
    _d = setup_inputs()
    print(jax.jit(kernel)(*tuple(_d.values())))

</pallas_src>

<mosaic_0001>
#map = affine_map<(d0, d1) -> (0, 0, 0)>
#map1 = affine_map<(d0, d1) -> (0, 0)>
module attributes {stable_mosaic.version = 14 : i64} {
  func.func @gather_kernel(%arg0: i32, %arg1: i32, %arg2: memref<32x200x128xi32, #tpu.memory_space<hbm>>, %arg3: memref<1000000x128xf32, #tpu.memory_space<hbm>>, %arg4: memref<819200x64xf32, #tpu.memory_space<hbm>>, %arg5: memref<200x128xi32, #tpu.memory_space<vmem>>, %arg6: memref<128x128xf32, #tpu.memory_space<vmem>>, %arg7: memref<128x128xf32, #tpu.memory_space<vmem>>, %arg8: memref<128x64xf32, #tpu.memory_space<vmem>>, %arg9: memref<128x64xf32, #tpu.memory_space<vmem>>, %arg10: memref<!tpu.dma_semaphore, #tpu.memory_space<semaphore_mem>>, %arg11: memref<!tpu.dma_semaphore, #tpu.memory_space<semaphore_mem>>, %arg12: memref<!tpu.dma_semaphore, #tpu.memory_space<semaphore_mem>>, %arg13: memref<!tpu.dma_semaphore, #tpu.memory_space<semaphore_mem>>) attributes {dimension_semantics = [#tpu.dimension_semantics<core_parallel>, #tpu.dimension_semantics<subcore_parallel>], iteration_bounds = array<i64: 2, 16>, scalar_prefetch = 0 : i64, scratch_operands = 9 : i64, tpu.core_type = #tpu.core_type<sc_vector_subcore>, window_params = [{transform_indices = #map}, {transform_indices = #map1}, {transform_indices = #map1}]} {
    %mul3A = arith.constant 2 : i32
    %mul3A_0 = arith.muli %arg1, %mul3A : i32
    %add3A = arith.addi %mul3A_0, %arg0 : i32
    "tpu.region"() ({
      %run_scoped3A = tpu.sem_alloc : memref<!tpu.dma_semaphore, #tpu.memory_space<semaphore_mem>>
      %dma_start3A_142 = arith.constant 0 : i32
      %dma_start3A_143 = arith.constant 0 : i32
      %dma_start3A_144 = tpu.memref_slice %arg2[%add3A, %dma_start3A_142, %dma_start3A_143] : memref<32x200x128xi32, #tpu.memory_space<hbm>> -> memref<1x200x128xi32, #tpu.memory_space<hbm>>
      %dma_start3A_145 = tpu.memref_squeeze %dma_start3A_144 : memref<1x200x128xi32, #tpu.memory_space<hbm>> -> memref<200x128xi32, #tpu.memory_space<hbm>>
      %dma_start3A_146 = arith.constant 0 : i32
      %dma_start3A_147 = arith.constant 0 : i32
      %dma_start3A_148 = tpu.memref_slice %arg2[%add3A, %dma_start3A_146, %dma_start3A_147] : memref<32x200x128xi32, #tpu.memory_space<hbm>> -> memref<1x200x128xi32, #tpu.memory_space<hbm>>
      %dma_start3A_149 = tpu.memref_squeeze %dma_start3A_148 : memref<1x200x128xi32, #tpu.memory_space<hbm>> -> memref<200x128xi32, #tpu.memory_space<hbm>>
      tpu.enqueue_dma source(%dma_start3A_149 : memref<200x128xi32, #tpu.memory_space<hbm>>) target(%arg5 : memref<200x128xi32, #tpu.memory_space<vmem>>) target_semaphore(%run_scoped3A : memref<!tpu.dma_semaphore, #tpu.memory_space<semaphore_mem>>)
      %dma_wait3A_150 = arith.constant 0 : i32
      %dma_wait3A_151 = arith.constant 0 : i32
      %dma_wait3A_152 = tpu.memref_slice %arg2[%add3A, %dma_wait3A_150, %dma_wait3A_151] : memref<32x200x128xi32, #tpu.memory_space<hbm>> -> memref<1x200x128xi32, #tpu.memory_space<hbm>>
      %dma_wait3A_153 = tpu.memref_squeeze %dma_wait3A_152 : memref<1x200x128xi32, #tpu.memory_space<hbm>> -> memref<200x128xi32, #tpu.memory_space<hbm>>
      %dma_wait3A_154 = arith.constant 0 : i32
      %dma_wait3A_155 = arith.constant 0 : i32
      %dma_wait3A_156 = tpu.memref_slice %arg2[%add3A, %dma_wait3A_154, %dma_wait3A_155] : memref<32x200x128xi32, #tpu.memory_space<hbm>> -> memref<1x200x128xi32, #tpu.memory_space<hbm>>
      %dma_wait3A_157 = tpu.memref_squeeze %dma_wait3A_156 : memref<1x200x128xi32, #tpu.memory_space<hbm>> -> memref<200x128xi32, #tpu.memory_space<hbm>>
      tpu.wait_dma2 semaphore(%run_scoped3A : memref<!tpu.dma_semaphore, #tpu.memory_space<semaphore_mem>>) src(%dma_wait3A_157 : memref<200x128xi32, #tpu.memory_space<hbm>>) dst(%arg5 : memref<200x128xi32, #tpu.memory_space<vmem>>)
      tpu.yield
    }) : () -> ()
    %mul3A_1 = arith.constant 25600 : i32
    %mul3A_2 = arith.muli %add3A, %mul3A_1 : i32
    %dma_start3A = arith.constant 0 : i32
    %dma_start3A_3 = arith.constant 0 : i32
    %dma_start3A_4 = arith.constant 0 : i32
    %dma_start3A_5 = tpu.memref_slice %arg6[%dma_start3A_3, %dma_start3A_4] : memref<128x128xf32, #tpu.memory_space<vmem>> -> memref<128x128xf32, #tpu.memory_space<vmem>>
    %dma_start3A_6 = arith.constant 0 : i32
    %dma_start3A_7 = tpu.memref_slice %arg5[%dma_start3A, %dma_start3A_6] : memref<200x128xi32, #tpu.memory_space<vmem>> -> memref<1x128xi32, #tpu.memory_space<vmem>>
    %dma_start3A_8 = tpu.memref_squeeze %dma_start3A_7 : memref<1x128xi32, #tpu.memory_space<vmem>> -> memref<128xi32, #tpu.memory_space<vmem>>
    %dma_start3A_9 = arith.constant 0 : i32
    %dma_start3A_10 = arith.constant 0 : i32
    %dma_start3A_11 = tpu.memref_slice %arg3[%dma_start3A_9, %dma_start3A_10] : memref<1000000x128xf32, #tpu.memory_space<hbm>> -> memref<1000000x128xf32, #tpu.memory_space<hbm>>
    tpu.enqueue_indirect_dma source(%dma_start3A_11 : memref<1000000x128xf32, #tpu.memory_space<hbm>>) target(%dma_start3A_5 : memref<128x128xf32, #tpu.memory_space<vmem>>) offsets(%dma_start3A_8 : memref<128xi32, #tpu.memory_space<vmem>>) semaphore(%arg10 : memref<!tpu.dma_semaphore, #tpu.memory_space<semaphore_mem>>)
    %dma_start3A_12 = arith.constant 1 : i32
    %dma_start3A_13 = arith.constant 0 : i32
    %dma_start3A_14 = arith.constant 0 : i32
    %dma_start3A_15 = tpu.memref_slice %arg7[%dma_start3A_13, %dma_start3A_14] : memref<128x128xf32, #tpu.memory_space<vmem>> -> memref<128x128xf32, #tpu.memory_space<vmem>>
    %dma_start3A_16 = arith.constant 0 : i32
    %dma_start3A_17 = tpu.memref_slice %arg5[%dma_start3A_12, %dma_start3A_16] : memref<200x128xi32, #tpu.memory_space<vmem>> -> memref<1x128xi32, #tpu.memory_space<vmem>>
    %dma_start3A_18 = tpu.memref_squeeze %dma_start3A_17 : memref<1x128xi32, #tpu.memory_space<vmem>> -> memref<128xi32, #tpu.memory_space<vmem>>
    %dma_start3A_19 = arith.constant 0 : i32
    %dma_start3A_20 = arith.constant 0 : i32
    %dma_start3A_21 = tpu.memref_slice %arg3[%dma_start3A_19, %dma_start3A_20] : memref<1000000x128xf32, #tpu.memory_space<hbm>> -> memref<1000000x128xf32, #tpu.memory_space<hbm>>
    tpu.enqueue_indirect_dma source(%dma_start3A_21 : memref<1000000x128xf32, #tpu.memory_space<hbm>>) target(%dma_start3A_15 : memref<128x128xf32, #tpu.memory_space<vmem>>) offsets(%dma_start3A_18 : memref<128xi32, #tpu.memory_space<vmem>>) semaphore(%arg11 : memref<!tpu.dma_semaphore, #tpu.memory_space<semaphore_mem>>)
    %dma_wait3A = arith.constant 0 : i32
    %dma_wait3A_22 = arith.constant 0 : i32
    %dma_wait3A_23 = tpu.memref_slice %arg3[%dma_wait3A, %dma_wait3A_22] : memref<1000000x128xf32, #tpu.memory_space<hbm>> -> memref<128x128xf32, #tpu.memory_space<hbm>>
    %dma_wait3A_24 = arith.constant 0 : i32
    %dma_wait3A_25 = arith.constant 0 : i32
    %dma_wait3A_26 = tpu.memref_slice %arg3[%dma_wait3A_24, %dma_wait3A_25] : memref<1000000x128xf32, #tpu.memory_space<hbm>> -> memref<128x128xf32, #tpu.memory_space<hbm>>
    tpu.wait_dma2 semaphore(%arg10 : memref<!tpu.dma_semaphore, #tpu.memory_space<semaphore_mem>>) src(%dma_wait3A_26 : memref<128x128xf32, #tpu.memory_space<hbm>>) dst(%arg6 : memref<128x128xf32, #tpu.memory_space<vmem>>)
    %scan3A = arith.constant 0 : i32
    %scan3A_27 = arith.constant 0 : i32
    %scan3A_28 = arith.constant 32 : i32
    %scan3A_29 = arith.addi %scan3A_27, %scan3A_28 : i32
    %scan3A_30 = arith.constant 1 : i32
    scf.for %scan3A_142 = %scan3A_27 to %scan3A_29 step %scan3A_30  : i32 {
      %mul3A_143 = arith.constant 4 : i32
      %mul3A_144 = arith.muli %scan3A_142, %mul3A_143 : i32
      %add3A_145 = arith.constant 0 : i32
      %add3A_146 = arith.addi %mul3A_144, %add3A_145 : i32
      %get3A = arith.index_cast %add3A_146 : i32 to index
      %get3A_147 = arith.constant 0 : index
      %get3A_148 = tpu.vector_load %arg6[%get3A, %get3A_147] {strides = array<i32>} : memref<128x128xf32, #tpu.memory_space<vmem>>, vector<16xf32>,
      %swap3A = arith.index_cast %add3A_146 : i32 to index
      %swap3A_149 = arith.constant 0 : index
      %swap3A_150 = tpu.vector_load %arg8[%swap3A, %swap3A_149] {strides = array<i32>} : memref<128x64xf32, #tpu.memory_space<vmem>>, vector<16xf32>,
      tpu.vector_store %arg8[%swap3A, %swap3A_149], %get3A_148 {strides = array<i32>} : memref<128x64xf32, #tpu.memory_space<vmem>>, vector<16xf32>,
      %get3A_151 = arith.index_cast %add3A_146 : i32 to index
      %get3A_152 = arith.constant 16 : index
      %get3A_153 = tpu.vector_load %arg6[%get3A_151, %get3A_152] {strides = array<i32>} : memref<128x128xf32, #tpu.memory_space<vmem>>, vector<16xf32>,
      %swap3A_154 = arith.index_cast %add3A_146 : i32 to index
      %swap3A_155 = arith.constant 16 : index
      %swap3A_156 = tpu.vector_load %arg8[%swap3A_154, %swap3A_155] {strides = array<i32>} : memref<128x64xf32, #tpu.memory_space<vmem>>, vector<16xf32>,
      tpu.vector_store %arg8[%swap3A_154, %swap3A_155], %get3A_153 {strides = array<i32>} : memref<128x64xf32, #tpu.memory_space<vmem>>, vector<16xf32>,
      %get3A_157 = arith.index_cast %add3A_146 : i32 to index
      %get3A_158 = arith.constant 32 : index
      %get3A_159 = tpu.vector_load %arg6[%get3A_157, %get3A_158] {strides = array<i32>} : memref<128x128xf32, #tpu.memory_space<vmem>>, vector<16xf32>,
      %swap3A_160 = arith.index_cast %add3A_146 : i32 to index
      %swap3A_161 = arith.constant 32 : index
      %swap3A_162 = tpu.vector_load %arg8[%swap3A_160, %swap3A_161] {strides = array<i32>} : memref<128x64xf32, #tpu.memory_space<vmem>>, vector<16xf32>,
      tpu.vector_store %arg8[%swap3A_160, %swap3A_161], %get3A_159 {strides = array<i32>} : memref<128x64xf32, #tpu.memory_space<vmem>>, vector<16xf32>,
      %get3A_163 = arith.index_cast %add3A_146 : i32 to index
      %get3A_164 = arith.constant 48 : index
      %get3A_165 = tpu.vector_load %arg6[%get3A_163, %get3A_164] {strides = array<i32>} : memref<128x128xf32, #tpu.memory_space<vmem>>, vector<16xf32>,
      %swap3A_166 = arith.index_cast %add3A_146 : i32 to index
      %swap3A_167 = arith.constant 48 : index
      %swap3A_168 = tpu.vector_load %arg8[%swap3A_166, %swap3A_167] {strides = array<i32>} : memref<128x64xf32, #tpu.memory_space<vmem>>, vector<16xf32>,
      tpu.vector_store %arg8[%swap3A_166, %swap3A_167], %get3A_165 {strides = array<i32>} : memref<128x64xf32, #tpu.memory_space<vmem>>, vector<16xf32>,
      %mul3A_169 = arith.constant 4 : i32
      %mul3A_170 = arith.muli %scan3A_142, %mul3A_169 : i32
      %add3A_171 = arith.constant 1 : i32
      %add3A_172 = arith.addi %mul3A_170, %add3A_171 : i32
      %get3A_173 = arith.index_cast %add3A_172 : i32 to index
      %get3A_174 = arith.constant 0 : index
      %get3A_175 = tpu.vector_load %arg6[%get3A_173, %get3A_174] {strides = array<i32>} : memref<128x128xf32, #tpu.memory_space<vmem>>, vector<16xf32>,
      %swap3A_176 = arith.index_cast %add3A_172 : i32 to index
      %swap3A_177 = arith.constant 0 : index
      %swap3A_178 = tpu.vector_load %arg8[%swap3A_176, %swap3A_177] {strides = array<i32>} : memref<128x64xf32, #tpu.memory_space<vmem>>, vector<16xf32>,
      tpu.vector_store %arg8[%swap3A_176, %swap3A_177], %get3A_175 {strides = array<i32>} : memref<128x64xf32, #tpu.memory_space<vmem>>, vector<16xf32>,
      %get3A_179 = arith.index_cast %add3A_172 : i32 to index
      %get3A_180 = arith.constant 16 : index
      %get3A_181 = tpu.vector_load %arg6[%get3A_179, %get3A_180] {strides = array<i32>} : memref<128x128xf32, #tpu.memory_space<vmem>>, vector<16xf32>,
      %swap3A_182 = arith.index_cast %add3A_172 : i32 to index
      %swap3A_183 = arith.constant 16 : index
      %swap3A_184 = tpu.vector_load %arg8[%swap3A_182, %swap3A_183] {strides = array<i32>} : memref<128x64xf32, #tpu.memory_space<vmem>>, vector<16xf32>,
      tpu.vector_store %arg8[%swap3A_182, %swap3A_183], %get3A_181 {strides = array<i32>} : memref<128x64xf32, #tpu.memory_space<vmem>>, vector<16xf32>,
      %get3A_185 = arith.index_cast %add3A_172 : i32 to index
      %get3A_186 = arith.constant 32 : index
      %get3A_187 = tpu.vector_load %arg6[%get3A_185, %get3A_186] {strides = array<i32>} : memref<128x128xf32, #tpu.memory_space<vmem>>, vector<16xf32>,
      %swap3A_188 = arith.index_cast %add3A_172 : i32 to index
      %swap3A_189 = arith.constant 32 : index
      %swap3A_190 = tpu.vector_load %arg8[%swap3A_188, %swap3A_189] {strides = array<i32>} : memref<128x64xf32, #tpu.memory_space<vmem>>, vector<16xf32>,
      tpu.vector_store %arg8[%swap3A_188, %swap3A_189], %get3A_187 {strides = array<i32>} : memref<128x64xf32, #tpu.memory_space<vmem>>, vector<16xf32>,
      %get3A_191 = arith.index_cast %add3A_172 : i32 to index
      %get3A_192 = arith.constant 48 : index
      %get3A_193 = tpu.vector_load %arg6[%get3A_191, %get3A_192] {strides = array<i32>} : memref<128x128xf32, #tpu.memory_space<vmem>>, vector<16xf32>,
      %swap3A_194 = arith.index_cast %add3A_172 : i32 to index
      %swap3A_195 = arith.constant 48 : index
      %swap3A_196 = tpu.vector_load %arg8[%swap3A_194, %swap3A_195] {strides = array<i32>} : memref<128x64xf32, #tpu.memory_space<vmem>>, vector<16xf32>,
      tpu.vector_store %arg8[%swap3A_194, %swap3A_195], %get3A_193 {strides = array<i32>} : memref<128x64xf32, #tpu.memory_space<vmem>>, vector<16xf32>,
      %mul3A_197 = arith.constant 4 : i32
      %mul3A_198 = arith.muli %scan3A_142, %mul3A_197 : i32
      %add3A_199 = arith.constant 2 : i32
      %add3A_200 = arith.addi %mul3A_198, %add3A_199 : i32
      %get3A_201 = arith.index_cast %add3A_200 : i32 to index
      %get3A_202 = arith.constant 0 : index
      %get3A_203 = tpu.vector_load %arg6[%get3A_201, %get3A_202] {strides = array<i32>} : memref<128x128xf32, #tpu.memory_space<vmem>>, vector<16xf32>,
      %swap3A_204 = arith.index_cast %add3A_200 : i32 to index
      %swap3A_205 = arith.constant 0 : index
      %swap3A_206 = tpu.vector_load %arg8[%swap3A_204, %swap3A_205] {strides = array<i32>} : memref<128x64xf32, #tpu.memory_space<vmem>>, vector<16xf32>,
      tpu.vector_store %arg8[%swap3A_204, %swap3A_205], %get3A_203 {strides = array<i32>} : memref<128x64xf32, #tpu.memory_space<vmem>>, vector<16xf32>,
      %get3A_207 = arith.index_cast %add3A_200 : i32 to index
      %get3A_208 = arith.constant 16 : index
      %get3A_209 = tpu.vector_load %arg6[%get3A_207, %get3A_208] {strides = array<i32>} : memref<128x128xf32, #tpu.memory_space<vmem>>, vector<16xf32>,
      %swap3A_210 = arith.index_cast %add3A_200 : i32 to index
      %swap3A_211 = arith.constant 16 : index
      %swap3A_212 = tpu.vector_load %arg8[%swap3A_210, %swap3A_211] {strides = array<i32>} : memref<128x64xf32, #tpu.memory_space<vmem>>, vector<16xf32>,
      tpu.vector_store %arg8[%swap3A_210, %swap3A_211], %get3A_209 {strides = array<i32>} : memref<128x64xf32, #tpu.memory_space<vmem>>, vector<16xf32>,
      %get3A_213 = arith.index_cast %add3A_200 : i32 to index
      %get3A_214 = arith.constant 32 : index
      %get3A_215 = tpu.vector_load %arg6[%get3A_213, %get3A_214] {strides = array<i32>} : memref<128x128xf32, #tpu.memory_space<vmem>>, vector<16xf32>,
      %swap3A_216 = arith.index_cast %add3A_200 : i32 to index
      %swap3A_217 = arith.constant 32 : index
      %swap3A_218 = tpu.vector_load %arg8[%swap3A_216, %swap3A_217] {strides = array<i32>} : memref<128x64xf32, #tpu.memory_space<vmem>>, vector<16xf32>,
      tpu.vector_store %arg8[%swap3A_216, %swap3A_217], %get3A_215 {strides = array<i32>} : memref<128x64xf32, #tpu.memory_space<vmem>>, vector<16xf32>,
      %get3A_219 = arith.index_cast %add3A_200 : i32 to index
      %get3A_220 = arith.constant 48 : index
      %get3A_221 = tpu.vector_load %arg6[%get3A_219, %get3A_220] {strides = array<i32>} : memref<128x128xf32, #tpu.memory_space<vmem>>, vector<16xf32>,
      %swap3A_222 = arith.index_cast %add3A_200 : i32 to index
      %swap3A_223 = arith.constant 48 : index
      %swap3A_224 = tpu.vector_load %arg8[%swap3A_222, %swap3A_223] {strides = array<i32>} : memref<128x64xf32, #tpu.memory_space<vmem>>, vector<16xf32>,
      tpu.vector_store %arg8[%swap3A_222, %swap3A_223], %get3A_221 {strides = array<i32>} : memref<128x64xf32, #tpu.memory_space<vmem>>, vector<16xf32>,
      %mul3A_225 = arith.constant 4 : i32
      %mul3A_226 = arith.muli %scan3A_142, %mul3A_225 : i32
      %add3A_227 = arith.constant 3 : i32
      %add3A_228 = arith.addi %mul3A_226, %add3A_227 : i32
      %get3A_229 = arith.index_cast %add3A_228 : i32 to index
      %get3A_230 = arith.constant 0 : index
      %get3A_231 = tpu.vector_load %arg6[%get3A_229, %get3A_230] {strides = array<i32>} : memref<128x128xf32, #tpu.memory_space<vmem>>, vector<16xf32>,
      %swap3A_232 = arith.index_cast %add3A_228 : i32 to index
      %swap3A_233 = arith.constant 0 : index
      %swap3A_234 = tpu.vector_load %arg8[%swap3A_232, %swap3A_233] {strides = array<i32>} : memref<128x64xf32, #tpu.memory_space<vmem>>, vector<16xf32>,
      tpu.vector_store %arg8[%swap3A_232, %swap3A_233], %get3A_231 {strides = array<i32>} : memref<128x64xf32, #tpu.memory_space<vmem>>, vector<16xf32>,
      %get3A_235 = arith.index_cast %add3A_228 : i32 to index
      %get3A_236 = arith.constant 16 : index
      %get3A_237 = tpu.vector_load %arg6[%get3A_235, %get3A_236] {strides = array<i32>} : memref<128x128xf32, #tpu.memory_space<vmem>>, vector<16xf32>,
      %swap3A_238 = arith.index_cast %add3A_228 : i32 to index
      %swap3A_239 = arith.constant 16 : index
      %swap3A_240 = tpu.vector_load %arg8[%swap3A_238, %swap3A_239] {strides = array<i32>} : memref<128x64xf32, #tpu.memory_space<vmem>>, vector<16xf32>,
      tpu.vector_store %arg8[%swap3A_238, %swap3A_239], %get3A_237 {strides = array<i32>} : memref<128x64xf32, #tpu.memory_space<vmem>>, vector<16xf32>,
      %get3A_241 = arith.index_cast %add3A_228 : i32 to index
      %get3A_242 = arith.constant 32 : index
      %get3A_243 = tpu.vector_load %arg6[%get3A_241, %get3A_242] {strides = array<i32>} : memref<128x128xf32, #tpu.memory_space<vmem>>, vector<16xf32>,
      %swap3A_244 = arith.index_cast %add3A_228 : i32 to index
      %swap3A_245 = arith.constant 32 : index
      %swap3A_246 = tpu.vector_load %arg8[%swap3A_244, %swap3A_245] {strides = array<i32>} : memref<128x64xf32, #tpu.memory_space<vmem>>, vector<16xf32>,
      tpu.vector_store %arg8[%swap3A_244, %swap3A_245], %get3A_243 {strides = array<i32>} : memref<128x64xf32, #tpu.memory_space<vmem>>, vector<16xf32>,
      %get3A_247 = arith.index_cast %add3A_228 : i32 to index
      %get3A_248 = arith.constant 48 : index
      %get3A_249 = tpu.vector_load %arg6[%get3A_247, %get3A_248] {strides = array<i32>} : memref<128x128xf32, #tpu.memory_space<vmem>>, vector<16xf32>,
      %swap3A_250 = arith.index_cast %add3A_228 : i32 to index
      %swap3A_251 = arith.constant 48 : index
      %swap3A_252 = tpu.vector_load %arg8[%swap3A_250, %swap3A_251] {strides = array<i32>} : memref<128x64xf32, #tpu.memory_space<vmem>>, vector<16xf32>,
      tpu.vector_store %arg8[%swap3A_250, %swap3A_251], %get3A_249 {strides = array<i32>} : memref<128x64xf32, #tpu.memory_space<vmem>>, vector<16xf32>,
    }
    %scan3A_31 = arith.constant 32 : i32
    %add3A_32 = arith.constant 0 : i32
    %add3A_33 = arith.addi %mul3A_2, %add3A_32 : i32
    %dma_start3A_34 = arith.constant 0 : i32
    %dma_start3A_35 = tpu.memref_slice %arg4[%add3A_33, %dma_start3A_34] : memref<819200x64xf32, #tpu.memory_space<hbm>> -> memref<128x64xf32, #tpu.memory_space<hbm>>
    %dma_start3A_36 = arith.constant 0 : i32
    %dma_start3A_37 = tpu.memref_slice %arg4[%add3A_33, %dma_start3A_36] : memref<819200x64xf32, #tpu.memory_space<hbm>> -> memref<128x64xf32, #tpu.memory_space<hbm>>
    tpu.enqueue_dma source(%arg8 : memref<128x64xf32, #tpu.memory_space<vmem>>) target(%dma_start3A_37 : memref<128x64xf32, #tpu.memory_space<hbm>>) target_semaphore(%arg12 : memref<!tpu.dma_semaphore, #tpu.memory_space<semaphore_mem>>)
    %dma_start3A_38 = arith.constant 2 : i32
    %dma_start3A_39 = arith.constant 0 : i32
    %dma_start3A_40 = arith.constant 0 : i32
    %dma_start3A_41 = tpu.memref_slice %arg6[%dma_start3A_39, %dma_start3A_40] : memref<128x128xf32, #tpu.memory_space<vmem>> -> memref<128x128xf32, #tpu.memory_space<vmem>>
    %dma_start3A_42 = arith.constant 0 : i32
    %dma_start3A_43 = tpu.memref_slice %arg5[%dma_start3A_38, %dma_start3A_42] : memref<200x128xi32, #tpu.memory_space<vmem>> -> memref<1x128xi32, #tpu.memory_space<vmem>>
    %dma_start3A_44 = tpu.memref_squeeze %dma_start3A_43 : memref<1x128xi32, #tpu.memory_space<vmem>> -> memref<128xi32, #tpu.memory_space<vmem>>
    %dma_start3A_45 = arith.constant 0 : i32
    %dma_start3A_46 = arith.constant 0 : i32
    %dma_start3A_47 = tpu.memref_slice %arg3[%dma_start3A_45, %dma_start3A_46] : memref<1000000x128xf32, #tpu.memory_space<hbm>> -> memref<1000000x128xf32, #tpu.memory_space<hbm>>
    tpu.enqueue_indirect_dma source(%dma_start3A_47 : memref<1000000x128xf32, #tpu.memory_space<hbm>>) target(%dma_start3A_41 : memref<128x128xf32, #tpu.memory_space<vmem>>) offsets(%dma_start3A_44 : memref<128xi32, #tpu.memory_space<vmem>>) semaphore(%arg10 : memref<!tpu.dma_semaphore, #tpu.memory_space<semaphore_mem>>)
    %dma_wait3A_48 = arith.constant 0 : i32
    %dma_wait3A_49 = arith.constant 0 : i32
    %dma_wait3A_50 = tpu.memref_slice %arg3[%dma_wait3A_48, %dma_wait3A_49] : memref<1000000x128xf32, #tpu.memory_space<hbm>> -> memref<128x128xf32, #tpu.memory_space<hbm>>
    %dma_wait3A_51 = arith.constant 0 : i32
    %dma_wait3A_52 = arith.constant 0 : i32
    %dma_wait3A_53 = tpu.memref_slice %arg3[%dma_wait3A_51, %dma_wait3A_52] : memref<1000000x128xf32, #tpu.memory_space<hbm>> -> memref<128x128xf32, #tpu.memory_space<hbm>>
    tpu.wait_dma2 semaphore(%arg11 : memref<!tpu.dma_semaphore, #tpu.memory_space<semaphore_mem>>) src(%dma_wait3A_53 : memref<128x128xf32, #tpu.memory_space<hbm>>) dst(%arg7 : memref<128x128xf32, #tpu.memory_space<vmem>>)
    %scan3A_54 = arith.constant 0 : i32
    %scan3A_55 = arith.constant 0 : i32
    %scan3A_56 = arith.constant 32 : i32
    %scan3A_57 = arith.addi %scan3A_55, %scan3A_56 : i32
    %scan3A_58 = arith.constant 1 : i32
    scf.for %scan3A_142 = %scan3A_55 to %scan3A_57 step %scan3A_58  : i32 {
      %mul3A_143 = arith.constant 4 : i32
      %mul3A_144 = arith.muli %scan3A_142, %mul3A_143 : i32
      %add3A_145 = arith.constant 0 : i32
      %add3A_146 = arith.addi %mul3A_144, %add3A_145 : i32
      %get3A = arith.index_cast %add3A_146 : i32 to index
      %get3A_147 = arith.constant 0 : index
      %get3A_148 = tpu.vector_load %arg7[%get3A, %get3A_147] {strides = array<i32>} : memref<128x128xf32, #tpu.memory_space<vmem>>, vector<16xf32>,
      %swap3A = arith.index_cast %add3A_146 : i32 to index
      %swap3A_149 = arith.constant 0 : index
      %swap3A_150 = tpu.vector_load %arg9[%swap3A, %swap3A_149] {strides = array<i32>} : memref<128x64xf32, #tpu.memory_space<vmem>>, vector<16xf32>,
      tpu.vector_store %arg9[%swap3A, %swap3A_149], %get3A_148 {strides = array<i32>} : memref<128x64xf32, #tpu.memory_space<vmem>>, vector<16xf32>,
      %get3A_151 = arith.index_cast %add3A_146 : i32 to index
      %get3A_152 = arith.constant 16 : index
      %get3A_153 = tpu.vector_load %arg7[%get3A_151, %get3A_152] {strides = array<i32>} : memref<128x128xf32, #tpu.memory_space<vmem>>, vector<16xf32>,
      %swap3A_154 = arith.index_cast %add3A_146 : i32 to index
      %swap3A_155 = arith.constant 16 : index
      %swap3A_156 = tpu.vector_load %arg9[%swap3A_154, %swap3A_155] {strides = array<i32>} : memref<128x64xf32, #tpu.memory_space<vmem>>, vector<16xf32>,
      tpu.vector_store %arg9[%swap3A_154, %swap3A_155], %get3A_153 {strides = array<i32>} : memref<128x64xf32, #tpu.memory_space<vmem>>, vector<16xf32>,
      %get3A_157 = arith.index_cast %add3A_146 : i32 to index
      %get3A_158 = arith.constant 32 : index
      %get3A_159 = tpu.vector_load %arg7[%get3A_157, %get3A_158] {strides = array<i32>} : memref<128x128xf32, #tpu.memory_space<vmem>>, vector<16xf32>,
      %swap3A_160 = arith.index_cast %add3A_146 : i32 to index
      %swap3A_161 = arith.constant 32 : index
      %swap3A_162 = tpu.vector_load %arg9[%swap3A_160, %swap3A_161] {strides = array<i32>} : memref<128x64xf32, #tpu.memory_space<vmem>>, vector<16xf32>,
      tpu.vector_store %arg9[%swap3A_160, %swap3A_161], %get3A_159 {strides = array<i32>} : memref<128x64xf32, #tpu.memory_space<vmem>>, vector<16xf32>,
      %get3A_163 = arith.index_cast %add3A_146 : i32 to index
      %get3A_164 = arith.constant 48 : index
      %get3A_165 = tpu.vector_load %arg7[%get3A_163, %get3A_164] {strides = array<i32>} : memref<128x128xf32, #tpu.memory_space<vmem>>, vector<16xf32>,
      %swap3A_166 = arith.index_cast %add3A_146 : i32 to index
      %swap3A_167 = arith.constant 48 : index
      %swap3A_168 = tpu.vector_load %arg9[%swap3A_166, %swap3A_167] {strides = array<i32>} : memref<128x64xf32, #tpu.memory_space<vmem>>, vector<16xf32>,
      tpu.vector_store %arg9[%swap3A_166, %swap3A_167], %get3A_165 {strides = array<i32>} : memref<128x64xf32, #tpu.memory_space<vmem>>, vector<16xf32>,
      %mul3A_169 = arith.constant 4 : i32
      %mul3A_170 = arith.muli %scan3A_142, %mul3A_169 : i32
      %add3A_171 = arith.constant 1 : i32
      %add3A_172 = arith.addi %mul3A_170, %add3A_171 : i32
      %get3A_173 = arith.index_cast %add3A_172 : i32 to index
      %get3A_174 = arith.constant 0 : index
      %get3A_175 = tpu.vector_load %arg7[%get3A_173, %get3A_174] {strides = array<i32>} : memref<128x128xf32, #tpu.memory_space<vmem>>, vector<16xf32>,
      %swap3A_176 = arith.index_cast %add3A_172 : i32 to index
      %swap3A_177 = arith.constant 0 : index
      %swap3A_178 = tpu.vector_load %arg9[%swap3A_176, %swap3A_177] {strides = array<i32>} : memref<128x64xf32, #tpu.memory_space<vmem>>, vector<16xf32>,
      tpu.vector_store %arg9[%swap3A_176, %swap3A_177], %get3A_175 {strides = array<i32>} : memref<128x64xf32, #tpu.memory_space<vmem>>, vector<16xf32>,
      %get3A_179 = arith.index_cast %add3A_172 : i32 to index
      %get3A_180 = arith.constant 16 : index
      %get3A_181 = tpu.vector_load %arg7[%get3A_179, %get3A_180] {strides = array<i32>} : memref<128x128xf32, #tpu.memory_space<vmem>>, vector<16xf32>,
      %swap3A_182 = arith.index_cast %add3A_172 : i32 to index
      %swap3A_183 = arith.constant 16 : index
      %swap3A_184 = tpu.vector_load %arg9[%swap3A_182, %swap3A_183] {strides = array<i32>} : memref<128x64xf32, #tpu.memory_space<vmem>>, vector<16xf32>,
      tpu.vector_store %arg9[%swap3A_182, %swap3A_183], %get3A_181 {strides = array<i32>} : memref<128x64xf32, #tpu.memory_space<vmem>>, vector<16xf32>,
      %get3A_185 = arith.index_cast %add3A_172 : i32 to index
      %get3A_186 = arith.constant 32 : index
      %get3A_187 = tpu.vector_load %arg7[%get3A_185, %get3A_186] {strides = array<i32>} : memref<128x128xf32, #tpu.memory_space<vmem>>, vector<16xf32>,
      %swap3A_188 = arith.index_cast %add3A_172 : i32 to index
      %swap3A_189 = arith.constant 32 : index
      %swap3A_190 = tpu.vector_load %arg9[%swap3A_188, %swap3A_189] {strides = array<i32>} : memref<128x64xf32, #tpu.memory_space<vmem>>, vector<16xf32>,
      tpu.vector_store %arg9[%swap3A_188, %swap3A_189], %get3A_187 {strides = array<i32>} : memref<128x64xf32, #tpu.memory_space<vmem>>, vector<16xf32>,
      %get3A_191 = arith.index_cast %add3A_172 : i32 to index
      %get3A_192 = arith.constant 48 : index
      %get3A_193 = tpu.vector_load %arg7[%get3A_191, %get3A_192] {strides = array<i32>} : memref<128x128xf32, #tpu.memory_space<vmem>>, vector<16xf32>,
      %swap3A_194 = arith.index_cast %add3A_172 : i32 to index
      %swap3A_195 = arith.constant 48 : index
      %swap3A_196 = tpu.vector_load %arg9[%swap3A_194, %swap3A_195] {strides = array<i32>} : memref<128x64xf32, #tpu.memory_space<vmem>>, vector<16xf32>,
      tpu.vector_store %arg9[%swap3A_194, %swap3A_195], %get3A_193 {strides = array<i32>} : memref<128x64xf32, #tpu.memory_space<vmem>>, vector<16xf32>,
      %mul3A_197 = arith.constant 4 : i32
      %mul3A_198 = arith.muli %scan3A_142, %mul3A_197 : i32
      %add3A_199 = arith.constant 2 : i32
      %add3A_200 = arith.addi %mul3A_198, %add3A_199 : i32
      %get3A_201 = arith.index_cast %add3A_200 : i32 to index
      %get3A_202 = arith.constant 0 : index
      %get3A_203 = tpu.vector_load %arg7[%get3A_201, %get3A_202] {strides = array<i32>} : memref<128x128xf32, #tpu.memory_space<vmem>>, vector<16xf32>,
      %swap3A_204 = arith.index_cast %add3A_200 : i32 to index
      %swap3A_205 = arith.constant 0 : index
      %swap3A_206 = tpu.vector_load %arg9[%swap3A_204, %swap3A_205] {strides = array<i32>} : memref<128x64xf32, #tpu.memory_space<vmem>>, vector<16xf32>,
      tpu.vector_store %arg9[%swap3A_204, %swap3A_205], %get3A_203 {strides = array<i32>} : memref<128x64xf32, #tpu.memory_space<vmem>>, vector<16xf32>,
      %get3A_207 = arith.index_cast %add3A_200 : i32 to index
      %get3A_208 = arith.constant 16 : index
      %get3A_209 = tpu.vector_load %arg7[%get3A_207, %get3A_208] {strides = array<i32>} : memref<128x128xf32, #tpu.memory_space<vmem>>, vector<16xf32>,
      %swap3A_210 = arith.index_cast %add3A_200 : i32 to index
      %swap3A_211 = arith.constant 16 : index
      %swap3A_212 = tpu.vector_load %arg9[%swap3A_210, %swap3A_211] {strides = array<i32>} : memref<128x64xf32, #tpu.memory_space<vmem>>, vector<16xf32>,
      tpu.vector_store %arg9[%swap3A_210, %swap3A_211], %get3A_209 {strides = array<i32>} : memref<128x64xf32, #tpu.memory_space<vmem>>, vector<16xf32>,
      %get3A_213 = arith.index_cast %add3A_200 : i32 to index
      %get3A_214 = arith.constant 32 : index
      %get3A_215 = tpu.vector_load %arg7[%get3A_213, %get3A_214] {strides = array<i32>} : memref<128x128xf32, #tpu.memory_space<vmem>>, vector<16xf32>,
      %swap3A_216 = arith.index_cast %add3A_200 : i32 to index
      %swap3A_217 = arith.constant 32 : index
      %swap3A_218 = tpu.vector_load %arg9[%swap3A_216, %swap3A_217] {strides = array<i32>} : memref<128x64xf32, #tpu.memory_space<vmem>>, vector<16xf32>,
      tpu.vector_store %arg9[%swap3A_216, %swap3A_217], %get3A_215 {strides = array<i32>} : memref<128x64xf32, #tpu.memory_space<vmem>>, vector<16xf32>,
      %get3A_219 = arith.index_cast %add3A_200 : i32 to index
      %get3A_220 = arith.constant 48 : index
      %get3A_221 = tpu.vector_load %arg7[%get3A_219, %get3A_220] {strides = array<i32>} : memref<128x128xf32, #tpu.memory_space<vmem>>, vector<16xf32>,
      %swap3A_222 = arith.index_cast %add3A_200 : i32 to index
      %swap3A_223 = arith.constant 48 : index
      %swap3A_224 = tpu.vector_load %arg9[%swap3A_222, %swap3A_223] {strides = array<i32>} : memref<128x64xf32, #tpu.memory_space<vmem>>, vector<16xf32>,
      tpu.vector_store %arg9[%swap3A_222, %swap3A_223], %get3A_221 {strides = array<i32>} : memref<128x64xf32, #tpu.memory_space<vmem>>, vector<16xf32>,
      %mul3A_225 = arith.constant 4 : i32
      %mul3A_226 = arith.muli %scan3A_142, %mul3A_225 : i32
      %add3A_227 = arith.constant 3 : i32
      %add3A_228 = arith.addi %mul3A_226, %add3A_227 : i32
      %get3A_229 = arith.index_cast %add3A_228 : i32 to index
      %get3A_230 = arith.constant 0 : index
      %get3A_231 = tpu.vector_load %arg7[%get3A_229, %get3A_230] {strides = array<i32>} : memref<128x128xf32, #tpu.memory_space<vmem>>, vector<16xf32>,
      %swap3A_232 = arith.index_cast %add3A_228 : i32 to index
      %swap3A_233 = arith.constant 0 : index
      %swap3A_234 = tpu.vector_load %arg9[%swap3A_232, %swap3A_233] {strides = array<i32>} : memref<128x64xf32, #tpu.memory_space<vmem>>, vector<16xf32>,
      tpu.vector_store %arg9[%swap3A_232, %swap3A_233], %get3A_231 {strides = array<i32>} : memref<128x64xf32, #tpu.memory_space<vmem>>, vector<16xf32>,
      %get3A_235 = arith.index_cast %add3A_228 : i32 to index
      %get3A_236 = arith.constant 16 : index
      %get3A_237 = tpu.vector_load %arg7[%get3A_235, %get3A_236] {strides = array<i32>} : memref<128x128xf32, #tpu.memory_space<vmem>>, vector<16xf32>,
      %swap3A_238 = arith.index_cast %add3A_228 : i32 to index
      %swap3A_239 = arith.constant 16 : index
      %swap3A_240 = tpu.vector_load %arg9[%swap3A_238, %swap3A_239] {strides = array<i32>} : memref<128x64xf32, #tpu.memory_space<vmem>>, vector<16xf32>,
      tpu.vector_store %arg9[%swap3A_238, %swap3A_239], %get3A_237 {strides = array<i32>} : memref<128x64xf32, #tpu.memory_space<vmem>>, vector<16xf32>,
      %get3A_241 = arith.index_cast %add3A_228 : i32 to index
      %get3A_242 = arith.constant 32 : index
      %get3A_243 = tpu.vector_load %arg7[%get3A_241, %get3A_242] {strides = array<i32>} : memref<128x128xf32, #tpu.memory_space<vmem>>, vector<16xf32>,
      %swap3A_244 = arith.index_cast %add3A_228 : i32 to index
      %swap3A_245 = arith.constant 32 : index
      %swap3A_246 = tpu.vector_load %arg9[%swap3A_244, %swap3A_245] {strides = array<i32>} : memref<128x64xf32, #tpu.memory_space<vmem>>, vector<16xf32>,
      tpu.vector_store %arg9[%swap3A_244, %swap3A_245], %get3A_243 {strides = array<i32>} : memref<128x64xf32, #tpu.memory_space<vmem>>, vector<16xf32>,
      %get3A_247 = arith.index_cast %add3A_228 : i32 to index
      %get3A_248 = arith.constant 48 : index
      %get3A_249 = tpu.vector_load %arg7[%get3A_247, %get3A_248] {strides = array<i32>} : memref<128x128xf32, #tpu.memory_space<vmem>>, vector<16xf32>,
      %swap3A_250 = arith.index_cast %add3A_228 : i32 to index
      %swap3A_251 = arith.constant 48 : index
      %swap3A_252 = tpu.vector_load %arg9[%swap3A_250, %swap3A_251] {strides = array<i32>} : memref<128x64xf32, #tpu.memory_space<vmem>>, vector<16xf32>,
      tpu.vector_store %arg9[%swap3A_250, %swap3A_251], %get3A_249 {strides = array<i32>} : memref<128x64xf32, #tpu.memory_space<vmem>>, vector<16xf32>,
    }
    %scan3A_59 = arith.constant 32 : i32
    %add3A_60 = arith.constant 128 : i32
    %add3A_61 = arith.addi %mul3A_2, %add3A_60 : i32
    %dma_start3A_62 = arith.constant 0 : i32
    %dma_start3A_63 = tpu.memref_slice %arg4[%add3A_61, %dma_start3A_62] : memref<819200x64xf32, #tpu.memory_space<hbm>> -> memref<128x64xf32, #tpu.memory_space<hbm>>
    %dma_start3A_64 = arith.constant 0 : i32
    %dma_start3A_65 = tpu.memref_slice %arg4[%add3A_61, %dma_start3A_64] : memref<819200x64xf32, #tpu.memory_space<hbm>> -> memref<128x64xf32, #tpu.memory_space<hbm>>
    tpu.enqueue_dma source(%arg9 : memref<128x64xf32, #tpu.memory_space<vmem>>) target(%dma_start3A_65 : memref<128x64xf32, #tpu.memory_space<hbm>>) target_semaphore(%arg13 : memref<!tpu.dma_semaphore, #tpu.memory_space<semaphore_mem>>)
    %dma_start3A_66 = arith.constant 3 : i32
    %dma_start3A_67 = arith.constant 0 : i32
    %dma_start3A_68 = arith.constant 0 : i32
    %dma_start3A_69 = tpu.memref_slice %arg7[%dma_start3A_67, %dma_start3A_68] : memref<128x128xf32, #tpu.memory_space<vmem>> -> memref<128x128xf32, #tpu.memory_space<vmem>>
    %dma_start3A_70 = arith.constant 0 : i32
    %dma_start3A_71 = tpu.memref_slice %arg5[%dma_start3A_66, %dma_start3A_70] : memref<200x128xi32, #tpu.memory_space<vmem>> -> memref<1x128xi32, #tpu.memory_space<vmem>>
    %dma_start3A_72 = tpu.memref_squeeze %dma_start3A_71 : memref<1x128xi32, #tpu.memory_space<vmem>> -> memref<128xi32, #tpu.memory_space<vmem>>
    %dma_start3A_73 = arith.constant 0 : i32
    %dma_start3A_74 = arith.constant 0 : i32
    %dma_start3A_75 = tpu.memref_slice %arg3[%dma_start3A_73, %dma_start3A_74] : memref<1000000x128xf32, #tpu.memory_space<hbm>> -> memref<1000000x128xf32, #tpu.memory_space<hbm>>
    tpu.enqueue_indirect_dma source(%dma_start3A_75 : memref<1000000x128xf32, #tpu.memory_space<hbm>>) target(%dma_start3A_69 : memref<128x128xf32, #tpu.memory_space<vmem>>) offsets(%dma_start3A_72 : memref<128xi32, #tpu.memory_space<vmem>>) semaphore(%arg11 : memref<!tpu.dma_semaphore, #tpu.memory_space<semaphore_mem>>)
    %scan3A_76 = arith.constant 0 : i32
    %scan3A_77 = arith.constant 0 : i32
    %scan3A_78 = arith.constant 98 : i32
    %scan3A_79 = arith.addi %scan3A_77, %scan3A_78 : i32
    %scan3A_80 = arith.constant 1 : i32
    scf.for %scan3A_142 = %scan3A_77 to %scan3A_79 step %scan3A_80  : i32 {
      %mul3A_143 = arith.constant 2 : i32
      %mul3A_144 = arith.muli %scan3A_142, %mul3A_143 : i32
      %add3A_145 = arith.constant 2 : i32
      %add3A_146 = arith.addi %add3A_145, %mul3A_144 : i32
      %add3A_147 = arith.constant 0 : i32
      %add3A_148 = arith.addi %add3A_146, %add3A_147 : i32
      %dma_wait3A_149 = arith.constant 0 : i32
      %dma_wait3A_150 = arith.constant 0 : i32
      %dma_wait3A_151 = tpu.memref_slice %arg3[%dma_wait3A_149, %dma_wait3A_150] : memref<1000000x128xf32, #tpu.memory_space<hbm>> -> memref<128x128xf32, #tpu.memory_space<hbm>>
      %dma_wait3A_152 = arith.constant 0 : i32
      %dma_wait3A_153 = arith.constant 0 : i32
      %dma_wait3A_154 = tpu.memref_slice %arg3[%dma_wait3A_152, %dma_wait3A_153] : memref<1000000x128xf32, #tpu.memory_space<hbm>> -> memref<128x128xf32, #tpu.memory_space<hbm>>
      tpu.wait_dma2 semaphore(%arg10 : memref<!tpu.dma_semaphore, #tpu.memory_space<semaphore_mem>>) src(%dma_wait3A_154 : memref<128x128xf32, #tpu.memory_space<hbm>>) dst(%arg6 : memref<128x128xf32, #tpu.memory_space<vmem>>)
      %dma_wait3A_155 = arith.constant 0 : i32
      %dma_wait3A_156 = arith.constant 0 : i32
      %dma_wait3A_157 = tpu.memref_slice %arg4[%dma_wait3A_155, %dma_wait3A_156] : memref<819200x64xf32, #tpu.memory_space<hbm>> -> memref<128x64xf32, #tpu.memory_space<hbm>>
      %dma_wait3A_158 = arith.constant 0 : i32
      %dma_wait3A_159 = arith.constant 0 : i32
      %dma_wait3A_160 = tpu.memref_slice %arg4[%dma_wait3A_158, %dma_wait3A_159] : memref<819200x64xf32, #tpu.memory_space<hbm>> -> memref<128x64xf32, #tpu.memory_space<hbm>>
      tpu.wait_dma2 semaphore(%arg12 : memref<!tpu.dma_semaphore, #tpu.memory_space<semaphore_mem>>) src(%dma_wait3A_160 : memref<128x64xf32, #tpu.memory_space<hbm>>) dst(%arg8 : memref<128x64xf32, #tpu.memory_space<vmem>>)
      %scan3A_161 = arith.constant 0 : i32
      %scan3A_162 = arith.constant 0 : i32
      %scan3A_163 = arith.constant 32 : i32
      %scan3A_164 = arith.addi %scan3A_162, %scan3A_163 : i32
      %scan3A_165 = arith.constant 1 : i32
      scf.for %scan3A_231 = %scan3A_162 to %scan3A_164 step %scan3A_165  : i32 {
        %mul3A_232 = arith.constant 4 : i32
        %mul3A_233 = arith.muli %scan3A_231, %mul3A_232 : i32
        %add3A_234 = arith.constant 0 : i32
        %add3A_235 = arith.addi %mul3A_233, %add3A_234 : i32
        %get3A = arith.index_cast %add3A_235 : i32 to index
        %get3A_236 = arith.constant 0 : index
        %get3A_237 = tpu.vector_load %arg6[%get3A, %get3A_236] {strides = array<i32>} : memref<128x128xf32, #tpu.memory_space<vmem>>, vector<16xf32>,
        %swap3A = arith.index_cast %add3A_235 : i32 to index
        %swap3A_238 = arith.constant 0 : index
        %swap3A_239 = tpu.vector_load %arg8[%swap3A, %swap3A_238] {strides = array<i32>} : memref<128x64xf32, #tpu.memory_space<vmem>>, vector<16xf32>,
        tpu.vector_store %arg8[%swap3A, %swap3A_238], %get3A_237 {strides = array<i32>} : memref<128x64xf32, #tpu.memory_space<vmem>>, vector<16xf32>,
        %get3A_240 = arith.index_cast %add3A_235 : i32 to index
        %get3A_241 = arith.constant 16 : index
        %get3A_242 = tpu.vector_load %arg6[%get3A_240, %get3A_241] {strides = array<i32>} : memref<128x128xf32, #tpu.memory_space<vmem>>, vector<16xf32>,
        %swap3A_243 = arith.index_cast %add3A_235 : i32 to index
        %swap3A_244 = arith.constant 16 : index
        %swap3A_245 = tpu.vector_load %arg8[%swap3A_243, %swap3A_244] {strides = array<i32>} : memref<128x64xf32, #tpu.memory_space<vmem>>, vector<16xf32>,
        tpu.vector_store %arg8[%swap3A_243, %swap3A_244], %get3A_242 {strides = array<i32>} : memref<128x64xf32, #tpu.memory_space<vmem>>, vector<16xf32>,
        %get3A_246 = arith.index_cast %add3A_235 : i32 to index
        %get3A_247 = arith.constant 32 : index
        %get3A_248 = tpu.vector_load %arg6[%get3A_246, %get3A_247] {strides = array<i32>} : memref<128x128xf32, #tpu.memory_space<vmem>>, vector<16xf32>,
        %swap3A_249 = arith.index_cast %add3A_235 : i32 to index
        %swap3A_250 = arith.constant 32 : index
        %swap3A_251 = tpu.vector_load %arg8[%swap3A_249, %swap3A_250] {strides = array<i32>} : memref<128x64xf32, #tpu.memory_space<vmem>>, vector<16xf32>,
        tpu.vector_store %arg8[%swap3A_249, %swap3A_250], %get3A_248 {strides = array<i32>} : memref<128x64xf32, #tpu.memory_space<vmem>>, vector<16xf32>,
        %get3A_252 = arith.index_cast %add3A_235 : i32 to index
        %get3A_253 = arith.constant 48 : index
        %get3A_254 = tpu.vector_load %arg6[%get3A_252, %get3A_253] {strides = array<i32>} : memref<128x128xf32, #tpu.memory_space<vmem>>, vector<16xf32>,
        %swap3A_255 = arith.index_cast %add3A_235 : i32 to index
        %swap3A_256 = arith.constant 48 : index
        %swap3A_257 = tpu.vector_load %arg8[%swap3A_255, %swap3A_256] {strides = array<i32>} : memref<128x64xf32, #tpu.memory_space<vmem>>, vector<16xf32>,
        tpu.vector_store %arg8[%swap3A_255, %swap3A_256], %get3A_254 {strides = array<i32>} : memref<128x64xf32, #tpu.memory_space<vmem>>, vector<16xf32>,
        %mul3A_258 = arith.constant 4 : i32
        %mul3A_259 = arith.muli %scan3A_231, %mul3A_258 : i32
        %add3A_260 = arith.constant 1 : i32
        %add3A_261 = arith.addi %mul3A_259, %add3A_260 : i32
        %get3A_262 = arith.index_cast %add3A_261 : i32 to index
        %get3A_263 = arith.constant 0 : index
        %get3A_264 = tpu.vector_load %arg6[%get3A_262, %get3A_263] {strides = array<i32>} : memref<128x128xf32, #tpu.memory_space<vmem>>, vector<16xf32>,
        %swap3A_265 = arith.index_cast %add3A_261 : i32 to index
        %swap3A_266 = arith.constant 0 : index
        %swap3A_267 = tpu.vector_load %arg8[%swap3A_265, %swap3A_266] {strides = array<i32>} : memref<128x64xf32, #tpu.memory_space<vmem>>, vector<16xf32>,
        tpu.vector_store %arg8[%swap3A_265, %swap3A_266], %get3A_264 {strides = array<i32>} : memref<128x64xf32, #tpu.memory_space<vmem>>, vector<16xf32>,
        %get3A_268 = arith.index_cast %add3A_261 : i32 to index
        %get3A_269 = arith.constant 16 : index
        %get3A_270 = tpu.vector_load %arg6[%get3A_268, %get3A_269] {strides = array<i32>} : memref<128x128xf32, #tpu.memory_space<vmem>>, vector<16xf32>,
        %swap3A_271 = arith.index_cast %add3A_261 : i32 to index
        %swap3A_272 = arith.constant 16 : index
        %swap3A_273 = tpu.vector_load %arg8[%swap3A_271, %swap3A_272] {strides = array<i32>} : memref<128x64xf32, #tpu.memory_space<vmem>>, vector<16xf32>,
        tpu.vector_store %arg8[%swap3A_271, %swap3A_272], %get3A_270 {strides = array<i32>} : memref<128x64xf32, #tpu.memory_space<vmem>>, vector<16xf32>,
        %get3A_274 = arith.index_cast %add3A_261 : i32 to index
        %get3A_275 = arith.constant 32 : index
        %get3A_276 = tpu.vector_load %arg6[%get3A_274, %get3A_275] {strides = array<i32>} : memref<128x128xf32, #tpu.memory_space<vmem>>, vector<16xf32>,
        %swap3A_277 = arith.index_cast %add3A_261 : i32 to index
        %swap3A_278 = arith.constant 32 : index
        %swap3A_279 = tpu.vector_load %arg8[%swap3A_277, %swap3A_278] {strides = array<i32>} : memref<128x64xf32, #tpu.memory_space<vmem>>, vector<16xf32>,
        tpu.vector_store %arg8[%swap3A_277, %swap3A_278], %get3A_276 {strides = array<i32>} : memref<128x64xf32, #tpu.memory_space<vmem>>, vector<16xf32>,
        %get3A_280 = arith.index_cast %add3A_261 : i32 to index
        %get3A_281 = arith.constant 48 : index
        %get3A_282 = tpu.vector_load %arg6[%get3A_280, %get3A_281] {strides = array<i32>} : memref<128x128xf32, #tpu.memory_space<vmem>>, vector<16xf32>,
        %swap3A_283 = arith.index_cast %add3A_261 : i32 to index
        %swap3A_284 = arith.constant 48 : index
        %swap3A_285 = tpu.vector_load %arg8[%swap3A_283, %swap3A_284] {strides = array<i32>} : memref<128x64xf32, #tpu.memory_space<vmem>>, vector<16xf32>,
        tpu.vector_store %arg8[%swap3A_283, %swap3A_284], %get3A_282 {strides = array<i32>} : memref<128x64xf32, #tpu.memory_space<vmem>>, vector<16xf32>,
        %mul3A_286 = arith.constant 4 : i32
        %mul3A_287 = arith.muli %scan3A_231, %mul3A_286 : i32
        %add3A_288 = arith.constant 2 : i32
        %add3A_289 = arith.addi %mul3A_287, %add3A_288 : i32
        %get3A_290 = arith.index_cast %add3A_289 : i32 to index
        %get3A_291 = arith.constant 0 : index
        %get3A_292 = tpu.vector_load %arg6[%get3A_290, %get3A_291] {strides = array<i32>} : memref<128x128xf32, #tpu.memory_space<vmem>>, vector<16xf32>,
        %swap3A_293 = arith.index_cast %add3A_289 : i32 to index
        %swap3A_294 = arith.constant 0 : index
        %swap3A_295 = tpu.vector_load %arg8[%swap3A_293, %swap3A_294] {strides = array<i32>} : memref<128x64xf32, #tpu.memory_space<vmem>>, vector<16xf32>,
        tpu.vector_store %arg8[%swap3A_293, %swap3A_294], %get3A_292 {strides = array<i32>} : memref<128x64xf32, #tpu.memory_space<vmem>>, vector<16xf32>,
        %get3A_296 = arith.index_cast %add3A_289 : i32 to index
        %get3A_297 = arith.constant 16 : index
        %get3A_298 = tpu.vector_load %arg6[%get3A_296, %get3A_297] {strides = array<i32>} : memref<128x128xf32, #tpu.memory_space<vmem>>, vector<16xf32>,
        %swap3A_299 = arith.index_cast %add3A_289 : i32 to index
        %swap3A_300 = arith.constant 16 : index
        %swap3A_301 = tpu.vector_load %arg8[%swap3A_299, %swap3A_300] {strides = array<i32>} : memref<128x64xf32, #tpu.memory_space<vmem>>, vector<16xf32>,
        tpu.vector_store %arg8[%swap3A_299, %swap3A_300], %get3A_298 {strides = array<i32>} : memref<128x64xf32, #tpu.memory_space<vmem>>, vector<16xf32>,
        %get3A_302 = arith.index_cast %add3A_289 : i32 to index
        %get3A_303 = arith.constant 32 : index
        %get3A_304 = tpu.vector_load %arg6[%get3A_302, %get3A_303] {strides = array<i32>} : memref<128x128xf32, #tpu.memory_space<vmem>>, vector<16xf32>,
        %swap3A_305 = arith.index_cast %add3A_289 : i32 to index
        %swap3A_306 = arith.constant 32 : index
        %swap3A_307 = tpu.vector_load %arg8[%swap3A_305, %swap3A_306] {strides = array<i32>} : memref<128x64xf32, #tpu.memory_space<vmem>>, vector<16xf32>,
        tpu.vector_store %arg8[%swap3A_305, %swap3A_306], %get3A_304 {strides = array<i32>} : memref<128x64xf32, #tpu.memory_space<vmem>>, vector<16xf32>,
        %get3A_308 = arith.index_cast %add3A_289 : i32 to index
        %get3A_309 = arith.constant 48 : index
        %get3A_310 = tpu.vector_load %arg6[%get3A_308, %get3A_309] {strides = array<i32>} : memref<128x128xf32, #tpu.memory_space<vmem>>, vector<16xf32>,
        %swap3A_311 = arith.index_cast %add3A_289 : i32 to index
        %swap3A_312 = arith.constant 48 : index
        %swap3A_313 = tpu.vector_load %arg8[%swap3A_311, %swap3A_312] {strides = array<i32>} : memref<128x64xf32, #tpu.memory_space<vmem>>, vector<16xf32>,
        tpu.vector_store %arg8[%swap3A_311, %swap3A_312], %get3A_310 {strides = array<i32>} : memref<128x64xf32, #tpu.memory_space<vmem>>, vector<16xf32>,
        %mul3A_314 = arith.constant 4 : i32
        %mul3A_315 = arith.muli %scan3A_231, %mul3A_314 : i32
        %add3A_316 = arith.constant 3 : i32
        %add3A_317 = arith.addi %mul3A_315, %add3A_316 : i32
        %get3A_318 = arith.index_cast %add3A_317 : i32 to index
        %get3A_319 = arith.constant 0 : index
        %get3A_320 = tpu.vector_load %arg6[%get3A_318, %get3A_319] {strides = array<i32>} : memref<128x128xf32, #tpu.memory_space<vmem>>, vector<16xf32>,
        %swap3A_321 = arith.index_cast %add3A_317 : i32 to index
        %swap3A_322 = arith.constant 0 : index
        %swap3A_323 = tpu.vector_load %arg8[%swap3A_321, %swap3A_322] {strides = array<i32>} : memref<128x64xf32, #tpu.memory_space<vmem>>, vector<16xf32>,
        tpu.vector_store %arg8[%swap3A_321, %swap3A_322], %get3A_320 {strides = array<i32>} : memref<128x64xf32, #tpu.memory_space<vmem>>, vector<16xf32>,
        %get3A_324 = arith.index_cast %add3A_317 : i32 to index
        %get3A_325 = arith.constant 16 : index
        %get3A_326 = tpu.vector_load %arg6[%get3A_324, %get3A_325] {strides = array<i32>} : memref<128x128xf32, #tpu.memory_space<vmem>>, vector<16xf32>,
        %swap3A_327 = arith.index_cast %add3A_317 : i32 to index
        %swap3A_328 = arith.constant 16 : index
        %swap3A_329 = tpu.vector_load %arg8[%swap3A_327, %swap3A_328] {strides = array<i32>} : memref<128x64xf32, #tpu.memory_space<vmem>>, vector<16xf32>,
        tpu.vector_store %arg8[%swap3A_327, %swap3A_328], %get3A_326 {strides = array<i32>} : memref<128x64xf32, #tpu.memory_space<vmem>>, vector<16xf32>,
        %get3A_330 = arith.index_cast %add3A_317 : i32 to index
        %get3A_331 = arith.constant 32 : index
        %get3A_332 = tpu.vector_load %arg6[%get3A_330, %get3A_331] {strides = array<i32>} : memref<128x128xf32, #tpu.memory_space<vmem>>, vector<16xf32>,
        %swap3A_333 = arith.index_cast %add3A_317 : i32 to index
        %swap3A_334 = arith.constant 32 : index
        %swap3A_335 = tpu.vector_load %arg8[%swap3A_333, %swap3A_334] {strides = array<i32>} : memref<128x64xf32, #tpu.memory_space<vmem>>, vector<16xf32>,
        tpu.vector_store %arg8[%swap3A_333, %swap3A_334], %get3A_332 {strides = array<i32>} : memref<128x64xf32, #tpu.memory_space<vmem>>, vector<16xf32>,
        %get3A_336 = arith.index_cast %add3A_317 : i32 to index
        %get3A_337 = arith.constant 48 : index
        %get3A_338 = tpu.vector_load %arg6[%get3A_336, %get3A_337] {strides = array<i32>} : memref<128x128xf32, #tpu.memory_space<vmem>>, vector<16xf32>,
        %swap3A_339 = arith.index_cast %add3A_317 : i32 to index
        %swap3A_340 = arith.constant 48 : index
        %swap3A_341 = tpu.vector_load %arg8[%swap3A_339, %swap3A_340] {strides = array<i32>} : memref<128x64xf32, #tpu.memory_space<vmem>>, vector<16xf32>,
        tpu.vector_store %arg8[%swap3A_339, %swap3A_340], %get3A_338 {strides = array<i32>} : memref<128x64xf32, #tpu.memory_space<vmem>>, vector<16xf32>,
      }
      %scan3A_166 = arith.constant 32 : i32
      %mul3A_167 = arith.constant 128 : i32
      %mul3A_168 = arith.muli %add3A_148, %mul3A_167 : i32
      %add3A_169 = arith.addi %mul3A_2, %mul3A_168 : i32
      %dma_start3A_170 = arith.constant 0 : i32
      %dma_start3A_171 = tpu.memref_slice %arg4[%add3A_169, %dma_start3A_170] : memref<819200x64xf32, #tpu.memory_space<hbm>> -> memref<128x64xf32, #tpu.memory_space<hbm>>
      %dma_start3A_172 = arith.constant 0 : i32
      %dma_start3A_173 = tpu.memref_slice %arg4[%add3A_169, %dma_start3A_172] : memref<819200x64xf32, #tpu.memory_space<hbm>> -> memref<128x64xf32, #tpu.memory_space<hbm>>
      tpu.enqueue_dma source(%arg8 : memref<128x64xf32, #tpu.memory_space<vmem>>) target(%dma_start3A_173 : memref<128x64xf32, #tpu.memory_space<hbm>>) target_semaphore(%arg12 : memref<!tpu.dma_semaphore, #tpu.memory_space<semaphore_mem>>)
      %add3A_174 = arith.constant 2 : i32
      %add3A_175 = arith.addi %add3A_148, %add3A_174 : i32
      %mul3A_176 = arith.constant 1 : i32
      %mul3A_177 = arith.muli %add3A_175, %mul3A_176 : i32
      %add3A_178 = arith.constant 0 : i32
      %add3A_179 = arith.addi %mul3A_177, %add3A_178 : i32
      %dma_start3A_180 = arith.constant 0 : i32
      %dma_start3A_181 = arith.constant 0 : i32
      %dma_start3A_182 = tpu.memref_slice %arg6[%dma_start3A_180, %dma_start3A_181] : memref<128x128xf32, #tpu.memory_space<vmem>> -> memref<128x128xf32, #tpu.memory_space<vmem>>
      %dma_start3A_183 = arith.constant 0 : i32
      %dma_start3A_184 = tpu.memref_slice %arg5[%add3A_179, %dma_start3A_183] : memref<200x128xi32, #tpu.memory_space<vmem>> -> memref<1x128xi32, #tpu.memory_space<vmem>>
      %dma_start3A_185 = tpu.memref_squeeze %dma_start3A_184 : memref<1x128xi32, #tpu.memory_space<vmem>> -> memref<128xi32, #tpu.memory_space<vmem>>
      %dma_start3A_186 = arith.constant 0 : i32
      %dma_start3A_187 = arith.constant 0 : i32
      %dma_start3A_188 = tpu.memref_slice %arg3[%dma_start3A_186, %dma_start3A_187] : memref<1000000x128xf32, #tpu.memory_space<hbm>> -> memref<1000000x128xf32, #tpu.memory_space<hbm>>
      tpu.enqueue_indirect_dma source(%dma_start3A_188 : memref<1000000x128xf32, #tpu.memory_space<hbm>>) target(%dma_start3A_182 : memref<128x128xf32, #tpu.memory_space<vmem>>) offsets(%dma_start3A_185 : memref<128xi32, #tpu.memory_space<vmem>>) semaphore(%arg10 : memref<!tpu.dma_semaphore, #tpu.memory_space<semaphore_mem>>)
      %add3A_189 = arith.constant 1 : i32
      %add3A_190 = arith.addi %add3A_146, %add3A_189 : i32
      %dma_wait3A_191 = arith.constant 0 : i32
      %dma_wait3A_192 = arith.constant 0 : i32
      %dma_wait3A_193 = tpu.memref_slice %arg3[%dma_wait3A_191, %dma_wait3A_192] : memref<1000000x128xf32, #tpu.memory_space<hbm>> -> memref<128x128xf32, #tpu.memory_space<hbm>>
      %dma_wait3A_194 = arith.constant 0 : i32
      %dma_wait3A_195 = arith.constant 0 : i32
      %dma_wait3A_196 = tpu.memref_slice %arg3[%dma_wait3A_194, %dma_wait3A_195] : memref<1000000x128xf32, #tpu.memory_space<hbm>> -> memref<128x128xf32, #tpu.memory_space<hbm>>
      tpu.wait_dma2 semaphore(%arg11 : memref<!tpu.dma_semaphore, #tpu.memory_space<semaphore_mem>>) src(%dma_wait3A_196 : memref<128x128xf32, #tpu.memory_space<hbm>>) dst(%arg7 : memref<128x128xf32, #tpu.memory_space<vmem>>)
      %dma_wait3A_197 = arith.constant 0 : i32
      %dma_wait3A_198 = arith.constant 0 : i32
      %dma_wait3A_199 = tpu.memref_slice %arg4[%dma_wait3A_197, %dma_wait3A_198] : memref<819200x64xf32, #tpu.memory_space<hbm>> -> memref<128x64xf32, #tpu.memory_space<hbm>>
      %dma_wait3A_200 = arith.constant 0 : i32
      %dma_wait3A_201 = arith.constant 0 : i32
      %dma_wait3A_202 = tpu.memref_slice %arg4[%dma_wait3A_200, %dma_wait3A_201] : memref<819200x64xf32, #tpu.memory_space<hbm>> -> memref<128x64xf32, #tpu.memory_space<hbm>>
      tpu.wait_dma2 semaphore(%arg13 : memref<!tpu.dma_semaphore, #tpu.memory_space<semaphore_mem>>) src(%dma_wait3A_202 : memref<128x64xf32, #tpu.memory_space<hbm>>) dst(%arg9 : memref<128x64xf32, #tpu.memory_space<vmem>>)
      %scan3A_203 = arith.constant 0 : i32
      %scan3A_204 = arith.constant 0 : i32
      %scan3A_205 = arith.constant 32 : i32
      %scan3A_206 = arith.addi %scan3A_204, %scan3A_205 : i32
      %scan3A_207 = arith.constant 1 : i32
      scf.for %scan3A_231 = %scan3A_204 to %scan3A_206 step %scan3A_207  : i32 {
        %mul3A_232 = arith.constant 4 : i32
        %mul3A_233 = arith.muli %scan3A_231, %mul3A_232 : i32
        %add3A_234 = arith.constant 0 : i32
        %add3A_235 = arith.addi %mul3A_233, %add3A_234 : i32
        %get3A = arith.index_cast %add3A_235 : i32 to index
        %get3A_236 = arith.constant 0 : index
        %get3A_237 = tpu.vector_load %arg7[%get3A, %get3A_236] {strides = array<i32>} : memref<128x128xf32, #tpu.memory_space<vmem>>, vector<16xf32>,
        %swap3A = arith.index_cast %add3A_235 : i32 to index
        %swap3A_238 = arith.constant 0 : index
        %swap3A_239 = tpu.vector_load %arg9[%swap3A, %swap3A_238] {strides = array<i32>} : memref<128x64xf32, #tpu.memory_space<vmem>>, vector<16xf32>,
        tpu.vector_store %arg9[%swap3A, %swap3A_238], %get3A_237 {strides = array<i32>} : memref<128x64xf32, #tpu.memory_space<vmem>>, vector<16xf32>,
        %get3A_240 = arith.index_cast %add3A_235 : i32 to index
        %get3A_241 = arith.constant 16 : index
        %get3A_242 = tpu.vector_load %arg7[%get3A_240, %get3A_241] {strides = array<i32>} : memref<128x128xf32, #tpu.memory_space<vmem>>, vector<16xf32>,
        %swap3A_243 = arith.index_cast %add3A_235 : i32 to index
        %swap3A_244 = arith.constant 16 : index
        %swap3A_245 = tpu.vector_load %arg9[%swap3A_243, %swap3A_244] {strides = array<i32>} : memref<128x64xf32, #tpu.memory_space<vmem>>, vector<16xf32>,
        tpu.vector_store %arg9[%swap3A_243, %swap3A_244], %get3A_242 {strides = array<i32>} : memref<128x64xf32, #tpu.memory_space<vmem>>, vector<16xf32>,
        %get3A_246 = arith.index_cast %add3A_235 : i32 to index
        %get3A_247 = arith.constant 32 : index
        %get3A_248 = tpu.vector_load %arg7[%get3A_246, %get3A_247] {strides = array<i32>} : memref<128x128xf32, #tpu.memory_space<vmem>>, vector<16xf32>,
        %swap3A_249 = arith.index_cast %add3A_235 : i32 to index
        %swap3A_250 = arith.constant 32 : index
        %swap3A_251 = tpu.vector_load %arg9[%swap3A_249, %swap3A_250] {strides = array<i32>} : memref<128x64xf32, #tpu.memory_space<vmem>>, vector<16xf32>,
        tpu.vector_store %arg9[%swap3A_249, %swap3A_250], %get3A_248 {strides = array<i32>} : memref<128x64xf32, #tpu.memory_space<vmem>>, vector<16xf32>,
        %get3A_252 = arith.index_cast %add3A_235 : i32 to index
        %get3A_253 = arith.constant 48 : index
        %get3A_254 = tpu.vector_load %arg7[%get3A_252, %get3A_253] {strides = array<i32>} : memref<128x128xf32, #tpu.memory_space<vmem>>, vector<16xf32>,
        %swap3A_255 = arith.index_cast %add3A_235 : i32 to index
        %swap3A_256 = arith.constant 48 : index
        %swap3A_257 = tpu.vector_load %arg9[%swap3A_255, %swap3A_256] {strides = array<i32>} : memref<128x64xf32, #tpu.memory_space<vmem>>, vector<16xf32>,
        tpu.vector_store %arg9[%swap3A_255, %swap3A_256], %get3A_254 {strides = array<i32>} : memref<128x64xf32, #tpu.memory_space<vmem>>, vector<16xf32>,
        %mul3A_258 = arith.constant 4 : i32
        %mul3A_259 = arith.muli %scan3A_231, %mul3A_258 : i32
        %add3A_260 = arith.constant 1 : i32
        %add3A_261 = arith.addi %mul3A_259, %add3A_260 : i32
        %get3A_262 = arith.index_cast %add3A_261 : i32 to index
        %get3A_263 = arith.constant 0 : index
        %get3A_264 = tpu.vector_load %arg7[%get3A_262, %get3A_263] {strides = array<i32>} : memref<128x128xf32, #tpu.memory_space<vmem>>, vector<16xf32>,
        %swap3A_265 = arith.index_cast %add3A_261 : i32 to index
        %swap3A_266 = arith.constant 0 : index
        %swap3A_267 = tpu.vector_load %arg9[%swap3A_265, %swap3A_266] {strides = array<i32>} : memref<128x64xf32, #tpu.memory_space<vmem>>, vector<16xf32>,
        tpu.vector_store %arg9[%swap3A_265, %swap3A_266], %get3A_264 {strides = array<i32>} : memref<128x64xf32, #tpu.memory_space<vmem>>, vector<16xf32>,
        %get3A_268 = arith.index_cast %add3A_261 : i32 to index
        %get3A_269 = arith.constant 16 : index
        %get3A_270 = tpu.vector_load %arg7[%get3A_268, %get3A_269] {strides = array<i32>} : memref<128x128xf32, #tpu.memory_space<vmem>>, vector<16xf32>,
        %swap3A_271 = arith.index_cast %add3A_261 : i32 to index
        %swap3A_272 = arith.constant 16 : index
        %swap3A_273 = tpu.vector_load %arg9[%swap3A_271, %swap3A_272] {strides = array<i32>} : memref<128x64xf32, #tpu.memory_space<vmem>>, vector<16xf32>,
        tpu.vector_store %arg9[%swap3A_271, %swap3A_272], %get3A_270 {strides = array<i32>} : memref<128x64xf32, #tpu.memory_space<vmem>>, vector<16xf32>,
        %get3A_274 = arith.index_cast %add3A_261 : i32 to index
        %get3A_275 = arith.constant 32 : index
        %get3A_276 = tpu.vector_load %arg7[%get3A_274, %get3A_275] {strides = array<i32>} : memref<128x128xf32, #tpu.memory_space<vmem>>, vector<16xf32>,
        %swap3A_277 = arith.index_cast %add3A_261 : i32 to index
        %swap3A_278 = arith.constant 32 : index
        %swap3A_279 = tpu.vector_load %arg9[%swap3A_277, %swap3A_278] {strides = array<i32>} : memref<128x64xf32, #tpu.memory_space<vmem>>, vector<16xf32>,
        tpu.vector_store %arg9[%swap3A_277, %swap3A_278], %get3A_276 {strides = array<i32>} : memref<128x64xf32, #tpu.memory_space<vmem>>, vector<16xf32>,
        %get3A_280 = arith.index_cast %add3A_261 : i32 to index
        %get3A_281 = arith.constant 48 : index
        %get3A_282 = tpu.vector_load %arg7[%get3A_280, %get3A_281] {strides = array<i32>} : memref<128x128xf32, #tpu.memory_space<vmem>>, vector<16xf32>,
        %swap3A_283 = arith.index_cast %add3A_261 : i32 to index
        %swap3A_284 = arith.constant 48 : index
        %swap3A_285 = tpu.vector_load %arg9[%swap3A_283, %swap3A_284] {strides = array<i32>} : memref<128x64xf32, #tpu.memory_space<vmem>>, vector<16xf32>,
        tpu.vector_store %arg9[%swap3A_283, %swap3A_284], %get3A_282 {strides = array<i32>} : memref<128x64xf32, #tpu.memory_space<vmem>>, vector<16xf32>,
        %mul3A_286 = arith.constant 4 : i32
        %mul3A_287 = arith.muli %scan3A_231, %mul3A_286 : i32
        %add3A_288 = arith.constant 2 : i32
        %add3A_289 = arith.addi %mul3A_287, %add3A_288 : i32
        %get3A_290 = arith.index_cast %add3A_289 : i32 to index
        %get3A_291 = arith.constant 0 : index
        %get3A_292 = tpu.vector_load %arg7[%get3A_290, %get3A_291] {strides = array<i32>} : memref<128x128xf32, #tpu.memory_space<vmem>>, vector<16xf32>,
        %swap3A_293 = arith.index_cast %add3A_289 : i32 to index
        %swap3A_294 = arith.constant 0 : index
        %swap3A_295 = tpu.vector_load %arg9[%swap3A_293, %swap3A_294] {strides = array<i32>} : memref<128x64xf32, #tpu.memory_space<vmem>>, vector<16xf32>,
        tpu.vector_store %arg9[%swap3A_293, %swap3A_294], %get3A_292 {strides = array<i32>} : memref<128x64xf32, #tpu.memory_space<vmem>>, vector<16xf32>,
        %get3A_296 = arith.index_cast %add3A_289 : i32 to index
        %get3A_297 = arith.constant 16 : index
        %get3A_298 = tpu.vector_load %arg7[%get3A_296, %get3A_297] {strides = array<i32>} : memref<128x128xf32, #tpu.memory_space<vmem>>, vector<16xf32>,
        %swap3A_299 = arith.index_cast %add3A_289 : i32 to index
        %swap3A_300 = arith.constant 16 : index
        %swap3A_301 = tpu.vector_load %arg9[%swap3A_299, %swap3A_300] {strides = array<i32>} : memref<128x64xf32, #tpu.memory_space<vmem>>, vector<16xf32>,
        tpu.vector_store %arg9[%swap3A_299, %swap3A_300], %get3A_298 {strides = array<i32>} : memref<128x64xf32, #tpu.memory_space<vmem>>, vector<16xf32>,
        %get3A_302 = arith.index_cast %add3A_289 : i32 to index
        %get3A_303 = arith.constant 32 : index
        %get3A_304 = tpu.vector_load %arg7[%get3A_302, %get3A_303] {strides = array<i32>} : memref<128x128xf32, #tpu.memory_space<vmem>>, vector<16xf32>,
        %swap3A_305 = arith.index_cast %add3A_289 : i32 to index
        %swap3A_306 = arith.constant 32 : index
        %swap3A_307 = tpu.vector_load %arg9[%swap3A_305, %swap3A_306] {strides = array<i32>} : memref<128x64xf32, #tpu.memory_space<vmem>>, vector<16xf32>,
        tpu.vector_store %arg9[%swap3A_305, %swap3A_306], %get3A_304 {strides = array<i32>} : memref<128x64xf32, #tpu.memory_space<vmem>>, vector<16xf32>,
        %get3A_308 = arith.index_cast %add3A_289 : i32 to index
        %get3A_309 = arith.constant 48 : index
        %get3A_310 = tpu.vector_load %arg7[%get3A_308, %get3A_309] {strides = array<i32>} : memref<128x128xf32, #tpu.memory_space<vmem>>, vector<16xf32>,
        %swap3A_311 = arith.index_cast %add3A_289 : i32 to index
        %swap3A_312 = arith.constant 48 : index
        %swap3A_313 = tpu.vector_load %arg9[%swap3A_311, %swap3A_312] {strides = array<i32>} : memref<128x64xf32, #tpu.memory_space<vmem>>, vector<16xf32>,
        tpu.vector_store %arg9[%swap3A_311, %swap3A_312], %get3A_310 {strides = array<i32>} : memref<128x64xf32, #tpu.memory_space<vmem>>, vector<16xf32>,
        %mul3A_314 = arith.constant 4 : i32
        %mul3A_315 = arith.muli %scan3A_231, %mul3A_314 : i32
        %add3A_316 = arith.constant 3 : i32
        %add3A_317 = arith.addi %mul3A_315, %add3A_316 : i32
        %get3A_318 = arith.index_cast %add3A_317 : i32 to index
        %get3A_319 = arith.constant 0 : index
        %get3A_320 = tpu.vector_load %arg7[%get3A_318, %get3A_319] {strides = array<i32>} : memref<128x128xf32, #tpu.memory_space<vmem>>, vector<16xf32>,
        %swap3A_321 = arith.index_cast %add3A_317 : i32 to index
        %swap3A_322 = arith.constant 0 : index
        %swap3A_323 = tpu.vector_load %arg9[%swap3A_321, %swap3A_322] {strides = array<i32>} : memref<128x64xf32, #tpu.memory_space<vmem>>, vector<16xf32>,
        tpu.vector_store %arg9[%swap3A_321, %swap3A_322], %get3A_320 {strides = array<i32>} : memref<128x64xf32, #tpu.memory_space<vmem>>, vector<16xf32>,
        %get3A_324 = arith.index_cast %add3A_317 : i32 to index
        %get3A_325 = arith.constant 16 : index
        %get3A_326 = tpu.vector_load %arg7[%get3A_324, %get3A_325] {strides = array<i32>} : memref<128x128xf32, #tpu.memory_space<vmem>>, vector<16xf32>,
        %swap3A_327 = arith.index_cast %add3A_317 : i32 to index
        %swap3A_328 = arith.constant 16 : index
        %swap3A_329 = tpu.vector_load %arg9[%swap3A_327, %swap3A_328] {strides = array<i32>} : memref<128x64xf32, #tpu.memory_space<vmem>>, vector<16xf32>,
        tpu.vector_store %arg9[%swap3A_327, %swap3A_328], %get3A_326 {strides = array<i32>} : memref<128x64xf32, #tpu.memory_space<vmem>>, vector<16xf32>,
        %get3A_330 = arith.index_cast %add3A_317 : i32 to index
        %get3A_331 = arith.constant 32 : index
        %get3A_332 = tpu.vector_load %arg7[%get3A_330, %get3A_331] {strides = array<i32>} : memref<128x128xf32, #tpu.memory_space<vmem>>, vector<16xf32>,
        %swap3A_333 = arith.index_cast %add3A_317 : i32 to index
        %swap3A_334 = arith.constant 32 : index
        %swap3A_335 = tpu.vector_load %arg9[%swap3A_333, %swap3A_334] {strides = array<i32>} : memref<128x64xf32, #tpu.memory_space<vmem>>, vector<16xf32>,
        tpu.vector_store %arg9[%swap3A_333, %swap3A_334], %get3A_332 {strides = array<i32>} : memref<128x64xf32, #tpu.memory_space<vmem>>, vector<16xf32>,
        %get3A_336 = arith.index_cast %add3A_317 : i32 to index
        %get3A_337 = arith.constant 48 : index
        %get3A_338 = tpu.vector_load %arg7[%get3A_336, %get3A_337] {strides = array<i32>} : memref<128x128xf32, #tpu.memory_space<vmem>>, vector<16xf32>,
        %swap3A_339 = arith.index_cast %add3A_317 : i32 to index
        %swap3A_340 = arith.constant 48 : index
        %swap3A_341 = tpu.vector_load %arg9[%swap3A_339, %swap3A_340] {strides = array<i32>} : memref<128x64xf32, #tpu.memory_space<vmem>>, vector<16xf32>,
        tpu.vector_store %arg9[%swap3A_339, %swap3A_340], %get3A_338 {strides = array<i32>} : memref<128x64xf32, #tpu.memory_space<vmem>>, vector<16xf32>,
      }
      %scan3A_208 = arith.constant 32 : i32
      %mul3A_209 = arith.constant 128 : i32
      %mul3A_210 = arith.muli %add3A_190, %mul3A_209 : i32
      %add3A_211 = arith.addi %mul3A_2, %mul3A_210 : i32
      %dma_start3A_212 = arith.constant 0 : i32
      %dma_start3A_213 = tpu.memref_slice %arg4[%add3A_211, %dma_start3A_212] : memref<819200x64xf32, #tpu.memory_space<hbm>> -> memref<128x64xf32, #tpu.memory_space<hbm>>
      %dma_start3A_214 = arith.constant 0 : i32
      %dma_start3A_215 = tpu.memref_slice %arg4[%add3A_211, %dma_start3A_214] : memref<819200x64xf32, #tpu.memory_space<hbm>> -> memref<128x64xf32, #tpu.memory_space<hbm>>
      tpu.enqueue_dma source(%arg9 : memref<128x64xf32, #tpu.memory_space<vmem>>) target(%dma_start3A_215 : memref<128x64xf32, #tpu.memory_space<hbm>>) target_semaphore(%arg13 : memref<!tpu.dma_semaphore, #tpu.memory_space<semaphore_mem>>)
      %add3A_216 = arith.constant 2 : i32
      %add3A_217 = arith.addi %add3A_190, %add3A_216 : i32
      %mul3A_218 = arith.constant 1 : i32
      %mul3A_219 = arith.muli %add3A_217, %mul3A_218 : i32
      %add3A_220 = arith.constant 0 : i32
      %add3A_221 = arith.addi %mul3A_219, %add3A_220 : i32
      %dma_start3A_222 = arith.constant 0 : i32
      %dma_start3A_223 = arith.constant 0 : i32
      %dma_start3A_224 = tpu.memref_slice %arg7[%dma_start3A_222, %dma_start3A_223] : memref<128x128xf32, #tpu.memory_space<vmem>> -> memref<128x128xf32, #tpu.memory_space<vmem>>
      %dma_start3A_225 = arith.constant 0 : i32
      %dma_start3A_226 = tpu.memref_slice %arg5[%add3A_221, %dma_start3A_225] : memref<200x128xi32, #tpu.memory_space<vmem>> -> memref<1x128xi32, #tpu.memory_space<vmem>>
      %dma_start3A_227 = tpu.memref_squeeze %dma_start3A_226 : memref<1x128xi32, #tpu.memory_space<vmem>> -> memref<128xi32, #tpu.memory_space<vmem>>
      %dma_start3A_228 = arith.constant 0 : i32
      %dma_start3A_229 = arith.constant 0 : i32
      %dma_start3A_230 = tpu.memref_slice %arg3[%dma_start3A_228, %dma_start3A_229] : memref<1000000x128xf32, #tpu.memory_space<hbm>> -> memref<1000000x128xf32, #tpu.memory_space<hbm>>
      tpu.enqueue_indirect_dma source(%dma_start3A_230 : memref<1000000x128xf32, #tpu.memory_space<hbm>>) target(%dma_start3A_224 : memref<128x128xf32, #tpu.memory_space<vmem>>) offsets(%dma_start3A_227 : memref<128xi32, #tpu.memory_space<vmem>>) semaphore(%arg11 : memref<!tpu.dma_semaphore, #tpu.memory_space<semaphore_mem>>)
    }
    %scan3A_81 = arith.constant 98 : i32
    %dma_wait3A_82 = arith.constant 0 : i32
    %dma_wait3A_83 = arith.constant 0 : i32
    %dma_wait3A_84 = tpu.memref_slice %arg3[%dma_wait3A_82, %dma_wait3A_83] : memref<1000000x128xf32, #tpu.memory_space<hbm>> -> memref<128x128xf32, #tpu.memory_space<hbm>>
    %dma_wait3A_85 = arith.constant 0 : i32
    %dma_wait3A_86 = arith.constant 0 : i32
    %dma_wait3A_87 = tpu.memref_slice %arg3[%dma_wait3A_85, %dma_wait3A_86] : memref<1000000x128xf32, #tpu.memory_space<hbm>> -> memref<128x128xf32, #tpu.memory_space<hbm>>
    tpu.wait_dma2 semaphore(%arg10 : memref<!tpu.dma_semaphore, #tpu.memory_space<semaphore_mem>>) src(%dma_wait3A_87 : memref<128x128xf32, #tpu.memory_space<hbm>>) dst(%arg6 : memref<128x128xf32, #tpu.memory_space<vmem>>)
    %dma_wait3A_88 = arith.constant 0 : i32
    %dma_wait3A_89 = arith.constant 0 : i32
    %dma_wait3A_90 = tpu.memref_slice %arg4[%dma_wait3A_88, %dma_wait3A_89] : memref<819200x64xf32, #tpu.memory_space<hbm>> -> memref<128x64xf32, #tpu.memory_space<hbm>>
    %dma_wait3A_91 = arith.constant 0 : i32
    %dma_wait3A_92 = arith.constant 0 : i32
    %dma_wait3A_93 = tpu.memref_slice %arg4[%dma_wait3A_91, %dma_wait3A_92] : memref<819200x64xf32, #tpu.memory_space<hbm>> -> memref<128x64xf32, #tpu.memory_space<hbm>>
    tpu.wait_dma2 semaphore(%arg12 : memref<!tpu.dma_semaphore, #tpu.memory_space<semaphore_mem>>) src(%dma_wait3A_93 : memref<128x64xf32, #tpu.memory_space<hbm>>) dst(%arg8 : memref<128x64xf32, #tpu.memory_space<vmem>>)
    %scan3A_94 = arith.constant 0 : i32
    %scan3A_95 = arith.constant 0 : i32
    %scan3A_96 = arith.constant 32 : i32
    %scan3A_97 = arith.addi %scan3A_95, %scan3A_96 : i32
    %scan3A_98 = arith.constant 1 : i32
    scf.for %scan3A_142 = %scan3A_95 to %scan3A_97 step %scan3A_98  : i32 {
      %mul3A_143 = arith.constant 4 : i32
      %mul3A_144 = arith.muli %scan3A_142, %mul3A_143 : i32
      %add3A_145 = arith.constant 0 : i32
      %add3A_146 = arith.addi %mul3A_144, %add3A_145 : i32
      %get3A = arith.index_cast %add3A_146 : i32 to index
      %get3A_147 = arith.constant 0 : index
      %get3A_148 = tpu.vector_load %arg6[%get3A, %get3A_147] {strides = array<i32>} : memref<128x128xf32, #tpu.memory_space<vmem>>, vector<16xf32>,
      %swap3A = arith.index_cast %add3A_146 : i32 to index
      %swap3A_149 = arith.constant 0 : index
      %swap3A_150 = tpu.vector_load %arg8[%swap3A, %swap3A_149] {strides = array<i32>} : memref<128x64xf32, #tpu.memory_space<vmem>>, vector<16xf32>,
      tpu.vector_store %arg8[%swap3A, %swap3A_149], %get3A_148 {strides = array<i32>} : memref<128x64xf32, #tpu.memory_space<vmem>>, vector<16xf32>,
      %get3A_151 = arith.index_cast %add3A_146 : i32 to index
      %get3A_152 = arith.constant 16 : index
      %get3A_153 = tpu.vector_load %arg6[%get3A_151, %get3A_152] {strides = array<i32>} : memref<128x128xf32, #tpu.memory_space<vmem>>, vector<16xf32>,
      %swap3A_154 = arith.index_cast %add3A_146 : i32 to index
      %swap3A_155 = arith.constant 16 : index
      %swap3A_156 = tpu.vector_load %arg8[%swap3A_154, %swap3A_155] {strides = array<i32>} : memref<128x64xf32, #tpu.memory_space<vmem>>, vector<16xf32>,
      tpu.vector_store %arg8[%swap3A_154, %swap3A_155], %get3A_153 {strides = array<i32>} : memref<128x64xf32, #tpu.memory_space<vmem>>, vector<16xf32>,
      %get3A_157 = arith.index_cast %add3A_146 : i32 to index
      %get3A_158 = arith.constant 32 : index
      %get3A_159 = tpu.vector_load %arg6[%get3A_157, %get3A_158] {strides = array<i32>} : memref<128x128xf32, #tpu.memory_space<vmem>>, vector<16xf32>,
      %swap3A_160 = arith.index_cast %add3A_146 : i32 to index
      %swap3A_161 = arith.constant 32 : index
      %swap3A_162 = tpu.vector_load %arg8[%swap3A_160, %swap3A_161] {strides = array<i32>} : memref<128x64xf32, #tpu.memory_space<vmem>>, vector<16xf32>,
      tpu.vector_store %arg8[%swap3A_160, %swap3A_161], %get3A_159 {strides = array<i32>} : memref<128x64xf32, #tpu.memory_space<vmem>>, vector<16xf32>,
      %get3A_163 = arith.index_cast %add3A_146 : i32 to index
      %get3A_164 = arith.constant 48 : index
      %get3A_165 = tpu.vector_load %arg6[%get3A_163, %get3A_164] {strides = array<i32>} : memref<128x128xf32, #tpu.memory_space<vmem>>, vector<16xf32>,
      %swap3A_166 = arith.index_cast %add3A_146 : i32 to index
      %swap3A_167 = arith.constant 48 : index
      %swap3A_168 = tpu.vector_load %arg8[%swap3A_166, %swap3A_167] {strides = array<i32>} : memref<128x64xf32, #tpu.memory_space<vmem>>, vector<16xf32>,
      tpu.vector_store %arg8[%swap3A_166, %swap3A_167], %get3A_165 {strides = array<i32>} : memref<128x64xf32, #tpu.memory_space<vmem>>, vector<16xf32>,
      %mul3A_169 = arith.constant 4 : i32
      %mul3A_170 = arith.muli %scan3A_142, %mul3A_169 : i32
      %add3A_171 = arith.constant 1 : i32
      %add3A_172 = arith.addi %mul3A_170, %add3A_171 : i32
      %get3A_173 = arith.index_cast %add3A_172 : i32 to index
      %get3A_174 = arith.constant 0 : index
      %get3A_175 = tpu.vector_load %arg6[%get3A_173, %get3A_174] {strides = array<i32>} : memref<128x128xf32, #tpu.memory_space<vmem>>, vector<16xf32>,
      %swap3A_176 = arith.index_cast %add3A_172 : i32 to index
      %swap3A_177 = arith.constant 0 : index
      %swap3A_178 = tpu.vector_load %arg8[%swap3A_176, %swap3A_177] {strides = array<i32>} : memref<128x64xf32, #tpu.memory_space<vmem>>, vector<16xf32>,
      tpu.vector_store %arg8[%swap3A_176, %swap3A_177], %get3A_175 {strides = array<i32>} : memref<128x64xf32, #tpu.memory_space<vmem>>, vector<16xf32>,
      %get3A_179 = arith.index_cast %add3A_172 : i32 to index
      %get3A_180 = arith.constant 16 : index
      %get3A_181 = tpu.vector_load %arg6[%get3A_179, %get3A_180] {strides = array<i32>} : memref<128x128xf32, #tpu.memory_space<vmem>>, vector<16xf32>,
      %swap3A_182 = arith.index_cast %add3A_172 : i32 to index
      %swap3A_183 = arith.constant 16 : index
      %swap3A_184 = tpu.vector_load %arg8[%swap3A_182, %swap3A_183] {strides = array<i32>} : memref<128x64xf32, #tpu.memory_space<vmem>>, vector<16xf32>,
      tpu.vector_store %arg8[%swap3A_182, %swap3A_183], %get3A_181 {strides = array<i32>} : memref<128x64xf32, #tpu.memory_space<vmem>>, vector<16xf32>,
      %get3A_185 = arith.index_cast %add3A_172 : i32 to index
      %get3A_186 = arith.constant 32 : index
      %get3A_187 = tpu.vector_load %arg6[%get3A_185, %get3A_186] {strides = array<i32>} : memref<128x128xf32, #tpu.memory_space<vmem>>, vector<16xf32>,
      %swap3A_188 = arith.index_cast %add3A_172 : i32 to index
      %swap3A_189 = arith.constant 32 : index
      %swap3A_190 = tpu.vector_load %arg8[%swap3A_188, %swap3A_189] {strides = array<i32>} : memref<128x64xf32, #tpu.memory_space<vmem>>, vector<16xf32>,
      tpu.vector_store %arg8[%swap3A_188, %swap3A_189], %get3A_187 {strides = array<i32>} : memref<128x64xf32, #tpu.memory_space<vmem>>, vector<16xf32>,
      %get3A_191 = arith.index_cast %add3A_172 : i32 to index
      %get3A_192 = arith.constant 48 : index
      %get3A_193 = tpu.vector_load %arg6[%get3A_191, %get3A_192] {strides = array<i32>} : memref<128x128xf32, #tpu.memory_space<vmem>>, vector<16xf32>,
      %swap3A_194 = arith.index_cast %add3A_172 : i32 to index
      %swap3A_195 = arith.constant 48 : index
      %swap3A_196 = tpu.vector_load %arg8[%swap3A_194, %swap3A_195] {strides = array<i32>} : memref<128x64xf32, #tpu.memory_space<vmem>>, vector<16xf32>,
      tpu.vector_store %arg8[%swap3A_194, %swap3A_195], %get3A_193 {strides = array<i32>} : memref<128x64xf32, #tpu.memory_space<vmem>>, vector<16xf32>,
      %mul3A_197 = arith.constant 4 : i32
      %mul3A_198 = arith.muli %scan3A_142, %mul3A_197 : i32
      %add3A_199 = arith.constant 2 : i32
      %add3A_200 = arith.addi %mul3A_198, %add3A_199 : i32
      %get3A_201 = arith.index_cast %add3A_200 : i32 to index
      %get3A_202 = arith.constant 0 : index
      %get3A_203 = tpu.vector_load %arg6[%get3A_201, %get3A_202] {strides = array<i32>} : memref<128x128xf32, #tpu.memory_space<vmem>>, vector<16xf32>,
      %swap3A_204 = arith.index_cast %add3A_200 : i32 to index
      %swap3A_205 = arith.constant 0 : index
      %swap3A_206 = tpu.vector_load %arg8[%swap3A_204, %swap3A_205] {strides = array<i32>} : memref<128x64xf32, #tpu.memory_space<vmem>>, vector<16xf32>,
      tpu.vector_store %arg8[%swap3A_204, %swap3A_205], %get3A_203 {strides = array<i32>} : memref<128x64xf32, #tpu.memory_space<vmem>>, vector<16xf32>,
      %get3A_207 = arith.index_cast %add3A_200 : i32 to index
      %get3A_208 = arith.constant 16 : index
      %get3A_209 = tpu.vector_load %arg6[%get3A_207, %get3A_208] {strides = array<i32>} : memref<128x128xf32, #tpu.memory_space<vmem>>, vector<16xf32>,
      %swap3A_210 = arith.index_cast %add3A_200 : i32 to index
      %swap3A_211 = arith.constant 16 : index
      %swap3A_212 = tpu.vector_load %arg8[%swap3A_210, %swap3A_211] {strides = array<i32>} : memref<128x64xf32, #tpu.memory_space<vmem>>, vector<16xf32>,
      tpu.vector_store %arg8[%swap3A_210, %swap3A_211], %get3A_209 {strides = array<i32>} : memref<128x64xf32, #tpu.memory_space<vmem>>, vector<16xf32>,
      %get3A_213 = arith.index_cast %add3A_200 : i32 to index
      %get3A_214 = arith.constant 32 : index
      %get3A_215 = tpu.vector_load %arg6[%get3A_213, %get3A_214] {strides = array<i32>} : memref<128x128xf32, #tpu.memory_space<vmem>>, vector<16xf32>,
      %swap3A_216 = arith.index_cast %add3A_200 : i32 to index
      %swap3A_217 = arith.constant 32 : index
      %swap3A_218 = tpu.vector_load %arg8[%swap3A_216, %swap3A_217] {strides = array<i32>} : memref<128x64xf32, #tpu.memory_space<vmem>>, vector<16xf32>,
      tpu.vector_store %arg8[%swap3A_216, %swap3A_217], %get3A_215 {strides = array<i32>} : memref<128x64xf32, #tpu.memory_space<vmem>>, vector<16xf32>,
      %get3A_219 = arith.index_cast %add3A_200 : i32 to index
      %get3A_220 = arith.constant 48 : index
      %get3A_221 = tpu.vector_load %arg6[%get3A_219, %get3A_220] {strides = array<i32>} : memref<128x128xf32, #tpu.memory_space<vmem>>, vector<16xf32>,
      %swap3A_222 = arith.index_cast %add3A_200 : i32 to index
      %swap3A_223 = arith.constant 48 : index
      %swap3A_224 = tpu.vector_load %arg8[%swap3A_222, %swap3A_223] {strides = array<i32>} : memref<128x64xf32, #tpu.memory_space<vmem>>, vector<16xf32>,
      tpu.vector_store %arg8[%swap3A_222, %swap3A_223], %get3A_221 {strides = array<i32>} : memref<128x64xf32, #tpu.memory_space<vmem>>, vector<16xf32>,
      %mul3A_225 = arith.constant 4 : i32
      %mul3A_226 = arith.muli %scan3A_142, %mul3A_225 : i32
      %add3A_227 = arith.constant 3 : i32
      %add3A_228 = arith.addi %mul3A_226, %add3A_227 : i32
      %get3A_229 = arith.index_cast %add3A_228 : i32 to index
      %get3A_230 = arith.constant 0 : index
      %get3A_231 = tpu.vector_load %arg6[%get3A_229, %get3A_230] {strides = array<i32>} : memref<128x128xf32, #tpu.memory_space<vmem>>, vector<16xf32>,
      %swap3A_232 = arith.index_cast %add3A_228 : i32 to index
      %swap3A_233 = arith.constant 0 : index
      %swap3A_234 = tpu.vector_load %arg8[%swap3A_232, %swap3A_233] {strides = array<i32>} : memref<128x64xf32, #tpu.memory_space<vmem>>, vector<16xf32>,
      tpu.vector_store %arg8[%swap3A_232, %swap3A_233], %get3A_231 {strides = array<i32>} : memref<128x64xf32, #tpu.memory_space<vmem>>, vector<16xf32>,
      %get3A_235 = arith.index_cast %add3A_228 : i32 to index
      %get3A_236 = arith.constant 16 : index
      %get3A_237 = tpu.vector_load %arg6[%get3A_235, %get3A_236] {strides = array<i32>} : memref<128x128xf32, #tpu.memory_space<vmem>>, vector<16xf32>,
      %swap3A_238 = arith.index_cast %add3A_228 : i32 to index
      %swap3A_239 = arith.constant 16 : index
      %swap3A_240 = tpu.vector_load %arg8[%swap3A_238, %swap3A_239] {strides = array<i32>} : memref<128x64xf32, #tpu.memory_space<vmem>>, vector<16xf32>,
      tpu.vector_store %arg8[%swap3A_238, %swap3A_239], %get3A_237 {strides = array<i32>} : memref<128x64xf32, #tpu.memory_space<vmem>>, vector<16xf32>,
      %get3A_241 = arith.index_cast %add3A_228 : i32 to index
      %get3A_242 = arith.constant 32 : index
      %get3A_243 = tpu.vector_load %arg6[%get3A_241, %get3A_242] {strides = array<i32>} : memref<128x128xf32, #tpu.memory_space<vmem>>, vector<16xf32>,
      %swap3A_244 = arith.index_cast %add3A_228 : i32 to index
      %swap3A_245 = arith.constant 32 : index
      %swap3A_246 = tpu.vector_load %arg8[%swap3A_244, %swap3A_245] {strides = array<i32>} : memref<128x64xf32, #tpu.memory_space<vmem>>, vector<16xf32>,
      tpu.vector_store %arg8[%swap3A_244, %swap3A_245], %get3A_243 {strides = array<i32>} : memref<128x64xf32, #tpu.memory_space<vmem>>, vector<16xf32>,
      %get3A_247 = arith.index_cast %add3A_228 : i32 to index
      %get3A_248 = arith.constant 48 : index
      %get3A_249 = tpu.vector_load %arg6[%get3A_247, %get3A_248] {strides = array<i32>} : memref<128x128xf32, #tpu.memory_space<vmem>>, vector<16xf32>,
      %swap3A_250 = arith.index_cast %add3A_228 : i32 to index
      %swap3A_251 = arith.constant 48 : index
      %swap3A_252 = tpu.vector_load %arg8[%swap3A_250, %swap3A_251] {strides = array<i32>} : memref<128x64xf32, #tpu.memory_space<vmem>>, vector<16xf32>,
      tpu.vector_store %arg8[%swap3A_250, %swap3A_251], %get3A_249 {strides = array<i32>} : memref<128x64xf32, #tpu.memory_space<vmem>>, vector<16xf32>,
    }
    %scan3A_99 = arith.constant 32 : i32
    %add3A_100 = arith.constant 25344 : i32
    %add3A_101 = arith.addi %mul3A_2, %add3A_100 : i32
    %dma_start3A_102 = arith.constant 0 : i32
    %dma_start3A_103 = tpu.memref_slice %arg4[%add3A_101, %dma_start3A_102] : memref<819200x64xf32, #tpu.memory_space<hbm>> -> memref<128x64xf32, #tpu.memory_space<hbm>>
    %dma_start3A_104 = arith.constant 0 : i32
    %dma_start3A_105 = tpu.memref_slice %arg4[%add3A_101, %dma_start3A_104] : memref<819200x64xf32, #tpu.memory_space<hbm>> -> memref<128x64xf32, #tpu.memory_space<hbm>>
    tpu.enqueue_dma source(%arg8 : memref<128x64xf32, #tpu.memory_space<vmem>>) target(%dma_start3A_105 : memref<128x64xf32, #tpu.memory_space<hbm>>) target_semaphore(%arg12 : memref<!tpu.dma_semaphore, #tpu.memory_space<semaphore_mem>>)
    %dma_wait3A_106 = arith.constant 0 : i32
    %dma_wait3A_107 = arith.constant 0 : i32
    %dma_wait3A_108 = tpu.memref_slice %arg3[%dma_wait3A_106, %dma_wait3A_107] : memref<1000000x128xf32, #tpu.memory_space<hbm>> -> memref<128x128xf32, #tpu.memory_space<hbm>>
    %dma_wait3A_109 = arith.constant 0 : i32
    %dma_wait3A_110 = arith.constant 0 : i32
    %dma_wait3A_111 = tpu.memref_slice %arg3[%dma_wait3A_109, %dma_wait3A_110] : memref<1000000x128xf32, #tpu.memory_space<hbm>> -> memref<128x128xf32, #tpu.memory_space<hbm>>
    tpu.wait_dma2 semaphore(%arg11 : memref<!tpu.dma_semaphore, #tpu.memory_space<semaphore_mem>>) src(%dma_wait3A_111 : memref<128x128xf32, #tpu.memory_space<hbm>>) dst(%arg7 : memref<128x128xf32, #tpu.memory_space<vmem>>)
    %dma_wait3A_112 = arith.constant 0 : i32
    %dma_wait3A_113 = arith.constant 0 : i32
    %dma_wait3A_114 = tpu.memref_slice %arg4[%dma_wait3A_112, %dma_wait3A_113] : memref<819200x64xf32, #tpu.memory_space<hbm>> -> memref<128x64xf32, #tpu.memory_space<hbm>>
    %dma_wait3A_115 = arith.constant 0 : i32
    %dma_wait3A_116 = arith.constant 0 : i32
    %dma_wait3A_117 = tpu.memref_slice %arg4[%dma_wait3A_115, %dma_wait3A_116] : memref<819200x64xf32, #tpu.memory_space<hbm>> -> memref<128x64xf32, #tpu.memory_space<hbm>>
    tpu.wait_dma2 semaphore(%arg13 : memref<!tpu.dma_semaphore, #tpu.memory_space<semaphore_mem>>) src(%dma_wait3A_117 : memref<128x64xf32, #tpu.memory_space<hbm>>) dst(%arg9 : memref<128x64xf32, #tpu.memory_space<vmem>>)
    %scan3A_118 = arith.constant 0 : i32
    %scan3A_119 = arith.constant 0 : i32
    %scan3A_120 = arith.constant 32 : i32
    %scan3A_121 = arith.addi %scan3A_119, %scan3A_120 : i32
    %scan3A_122 = arith.constant 1 : i32
    scf.for %scan3A_142 = %scan3A_119 to %scan3A_121 step %scan3A_122  : i32 {
      %mul3A_143 = arith.constant 4 : i32
      %mul3A_144 = arith.muli %scan3A_142, %mul3A_143 : i32
      %add3A_145 = arith.constant 0 : i32
      %add3A_146 = arith.addi %mul3A_144, %add3A_145 : i32
      %get3A = arith.index_cast %add3A_146 : i32 to index
      %get3A_147 = arith.constant 0 : index
      %get3A_148 = tpu.vector_load %arg7[%get3A, %get3A_147] {strides = array<i32>} : memref<128x128xf32, #tpu.memory_space<vmem>>, vector<16xf32>,
      %swap3A = arith.index_cast %add3A_146 : i32 to index
      %swap3A_149 = arith.constant 0 : index
      %swap3A_150 = tpu.vector_load %arg9[%swap3A, %swap3A_149] {strides = array<i32>} : memref<128x64xf32, #tpu.memory_space<vmem>>, vector<16xf32>,
      tpu.vector_store %arg9[%swap3A, %swap3A_149], %get3A_148 {strides = array<i32>} : memref<128x64xf32, #tpu.memory_space<vmem>>, vector<16xf32>,
      %get3A_151 = arith.index_cast %add3A_146 : i32 to index
      %get3A_152 = arith.constant 16 : index
      %get3A_153 = tpu.vector_load %arg7[%get3A_151, %get3A_152] {strides = array<i32>} : memref<128x128xf32, #tpu.memory_space<vmem>>, vector<16xf32>,
      %swap3A_154 = arith.index_cast %add3A_146 : i32 to index
      %swap3A_155 = arith.constant 16 : index
      %swap3A_156 = tpu.vector_load %arg9[%swap3A_154, %swap3A_155] {strides = array<i32>} : memref<128x64xf32, #tpu.memory_space<vmem>>, vector<16xf32>,
      tpu.vector_store %arg9[%swap3A_154, %swap3A_155], %get3A_153 {strides = array<i32>} : memref<128x64xf32, #tpu.memory_space<vmem>>, vector<16xf32>,
      %get3A_157 = arith.index_cast %add3A_146 : i32 to index
      %get3A_158 = arith.constant 32 : index
      %get3A_159 = tpu.vector_load %arg7[%get3A_157, %get3A_158] {strides = array<i32>} : memref<128x128xf32, #tpu.memory_space<vmem>>, vector<16xf32>,
      %swap3A_160 = arith.index_cast %add3A_146 : i32 to index
      %swap3A_161 = arith.constant 32 : index
      %swap3A_162 = tpu.vector_load %arg9[%swap3A_160, %swap3A_161] {strides = array<i32>} : memref<128x64xf32, #tpu.memory_space<vmem>>, vector<16xf32>,
      tpu.vector_store %arg9[%swap3A_160, %swap3A_161], %get3A_159 {strides = array<i32>} : memref<128x64xf32, #tpu.memory_space<vmem>>, vector<16xf32>,
      %get3A_163 = arith.index_cast %add3A_146 : i32 to index
      %get3A_164 = arith.constant 48 : index
      %get3A_165 = tpu.vector_load %arg7[%get3A_163, %get3A_164] {strides = array<i32>} : memref<128x128xf32, #tpu.memory_space<vmem>>, vector<16xf32>,
      %swap3A_166 = arith.index_cast %add3A_146 : i32 to index
      %swap3A_167 = arith.constant 48 : index
      %swap3A_168 = tpu.vector_load %arg9[%swap3A_166, %swap3A_167] {strides = array<i32>} : memref<128x64xf32, #tpu.memory_space<vmem>>, vector<16xf32>,
      tpu.vector_store %arg9[%swap3A_166, %swap3A_167], %get3A_165 {strides = array<i32>} : memref<128x64xf32, #tpu.memory_space<vmem>>, vector<16xf32>,
      %mul3A_169 = arith.constant 4 : i32
      %mul3A_170 = arith.muli %scan3A_142, %mul3A_169 : i32
      %add3A_171 = arith.constant 1 : i32
      %add3A_172 = arith.addi %mul3A_170, %add3A_171 : i32
      %get3A_173 = arith.index_cast %add3A_172 : i32 to index
      %get3A_174 = arith.constant 0 : index
      %get3A_175 = tpu.vector_load %arg7[%get3A_173, %get3A_174] {strides = array<i32>} : memref<128x128xf32, #tpu.memory_space<vmem>>, vector<16xf32>,
      %swap3A_176 = arith.index_cast %add3A_172 : i32 to index
      %swap3A_177 = arith.constant 0 : index
      %swap3A_178 = tpu.vector_load %arg9[%swap3A_176, %swap3A_177] {strides = array<i32>} : memref<128x64xf32, #tpu.memory_space<vmem>>, vector<16xf32>,
      tpu.vector_store %arg9[%swap3A_176, %swap3A_177], %get3A_175 {strides = array<i32>} : memref<128x64xf32, #tpu.memory_space<vmem>>, vector<16xf32>,
      %get3A_179 = arith.index_cast %add3A_172 : i32 to index
      %get3A_180 = arith.constant 16 : index
      %get3A_181 = tpu.vector_load %arg7[%get3A_179, %get3A_180] {strides = array<i32>} : memref<128x128xf32, #tpu.memory_space<vmem>>, vector<16xf32>,
      %swap3A_182 = arith.index_cast %add3A_172 : i32 to index
      %swap3A_183 = arith.constant 16 : index
      %swap3A_184 = tpu.vector_load %arg9[%swap3A_182, %swap3A_183] {strides = array<i32>} : memref<128x64xf32, #tpu.memory_space<vmem>>, vector<16xf32>,
      tpu.vector_store %arg9[%swap3A_182, %swap3A_183], %get3A_181 {strides = array<i32>} : memref<128x64xf32, #tpu.memory_space<vmem>>, vector<16xf32>,
      %get3A_185 = arith.index_cast %add3A_172 : i32 to index
      %get3A_186 = arith.constant 32 : index
      %get3A_187 = tpu.vector_load %arg7[%get3A_185, %get3A_186] {strides = array<i32>} : memref<128x128xf32, #tpu.memory_space<vmem>>, vector<16xf32>,
      %swap3A_188 = arith.index_cast %add3A_172 : i32 to index
      %swap3A_189 = arith.constant 32 : index
      %swap3A_190 = tpu.vector_load %arg9[%swap3A_188, %swap3A_189] {strides = array<i32>} : memref<128x64xf32, #tpu.memory_space<vmem>>, vector<16xf32>,
      tpu.vector_store %arg9[%swap3A_188, %swap3A_189], %get3A_187 {strides = array<i32>} : memref<128x64xf32, #tpu.memory_space<vmem>>, vector<16xf32>,
      %get3A_191 = arith.index_cast %add3A_172 : i32 to index
      %get3A_192 = arith.constant 48 : index
      %get3A_193 = tpu.vector_load %arg7[%get3A_191, %get3A_192] {strides = array<i32>} : memref<128x128xf32, #tpu.memory_space<vmem>>, vector<16xf32>,
      %swap3A_194 = arith.index_cast %add3A_172 : i32 to index
      %swap3A_195 = arith.constant 48 : index
      %swap3A_196 = tpu.vector_load %arg9[%swap3A_194, %swap3A_195] {strides = array<i32>} : memref<128x64xf32, #tpu.memory_space<vmem>>, vector<16xf32>,
      tpu.vector_store %arg9[%swap3A_194, %swap3A_195], %get3A_193 {strides = array<i32>} : memref<128x64xf32, #tpu.memory_space<vmem>>, vector<16xf32>,
      %mul3A_197 = arith.constant 4 : i32
      %mul3A_198 = arith.muli %scan3A_142, %mul3A_197 : i32
      %add3A_199 = arith.constant 2 : i32
      %add3A_200 = arith.addi %mul3A_198, %add3A_199 : i32
      %get3A_201 = arith.index_cast %add3A_200 : i32 to index
      %get3A_202 = arith.constant 0 : index
      %get3A_203 = tpu.vector_load %arg7[%get3A_201, %get3A_202] {strides = array<i32>} : memref<128x128xf32, #tpu.memory_space<vmem>>, vector<16xf32>,
      %swap3A_204 = arith.index_cast %add3A_200 : i32 to index
      %swap3A_205 = arith.constant 0 : index
      %swap3A_206 = tpu.vector_load %arg9[%swap3A_204, %swap3A_205] {strides = array<i32>} : memref<128x64xf32, #tpu.memory_space<vmem>>, vector<16xf32>,
      tpu.vector_store %arg9[%swap3A_204, %swap3A_205], %get3A_203 {strides = array<i32>} : memref<128x64xf32, #tpu.memory_space<vmem>>, vector<16xf32>,
      %get3A_207 = arith.index_cast %add3A_200 : i32 to index
      %get3A_208 = arith.constant 16 : index
      %get3A_209 = tpu.vector_load %arg7[%get3A_207, %get3A_208] {strides = array<i32>} : memref<128x128xf32, #tpu.memory_space<vmem>>, vector<16xf32>,
      %swap3A_210 = arith.index_cast %add3A_200 : i32 to index
      %swap3A_211 = arith.constant 16 : index
      %swap3A_212 = tpu.vector_load %arg9[%swap3A_210, %swap3A_211] {strides = array<i32>} : memref<128x64xf32, #tpu.memory_space<vmem>>, vector<16xf32>,
      tpu.vector_store %arg9[%swap3A_210, %swap3A_211], %get3A_209 {strides = array<i32>} : memref<128x64xf32, #tpu.memory_space<vmem>>, vector<16xf32>,
      %get3A_213 = arith.index_cast %add3A_200 : i32 to index
      %get3A_214 = arith.constant 32 : index
      %get3A_215 = tpu.vector_load %arg7[%get3A_213, %get3A_214] {strides = array<i32>} : memref<128x128xf32, #tpu.memory_space<vmem>>, vector<16xf32>,
      %swap3A_216 = arith.index_cast %add3A_200 : i32 to index
      %swap3A_217 = arith.constant 32 : index
      %swap3A_218 = tpu.vector_load %arg9[%swap3A_216, %swap3A_217] {strides = array<i32>} : memref<128x64xf32, #tpu.memory_space<vmem>>, vector<16xf32>,
      tpu.vector_store %arg9[%swap3A_216, %swap3A_217], %get3A_215 {strides = array<i32>} : memref<128x64xf32, #tpu.memory_space<vmem>>, vector<16xf32>,
      %get3A_219 = arith.index_cast %add3A_200 : i32 to index
      %get3A_220 = arith.constant 48 : index
      %get3A_221 = tpu.vector_load %arg7[%get3A_219, %get3A_220] {strides = array<i32>} : memref<128x128xf32, #tpu.memory_space<vmem>>, vector<16xf32>,
      %swap3A_222 = arith.index_cast %add3A_200 : i32 to index
      %swap3A_223 = arith.constant 48 : index
      %swap3A_224 = tpu.vector_load %arg9[%swap3A_222, %swap3A_223] {strides = array<i32>} : memref<128x64xf32, #tpu.memory_space<vmem>>, vector<16xf32>,
      tpu.vector_store %arg9[%swap3A_222, %swap3A_223], %get3A_221 {strides = array<i32>} : memref<128x64xf32, #tpu.memory_space<vmem>>, vector<16xf32>,
      %mul3A_225 = arith.constant 4 : i32
      %mul3A_226 = arith.muli %scan3A_142, %mul3A_225 : i32
      %add3A_227 = arith.constant 3 : i32
      %add3A_228 = arith.addi %mul3A_226, %add3A_227 : i32
      %get3A_229 = arith.index_cast %add3A_228 : i32 to index
      %get3A_230 = arith.constant 0 : index
      %get3A_231 = tpu.vector_load %arg7[%get3A_229, %get3A_230] {strides = array<i32>} : memref<128x128xf32, #tpu.memory_space<vmem>>, vector<16xf32>,
      %swap3A_232 = arith.index_cast %add3A_228 : i32 to index
      %swap3A_233 = arith.constant 0 : index
      %swap3A_234 = tpu.vector_load %arg9[%swap3A_232, %swap3A_233] {strides = array<i32>} : memref<128x64xf32, #tpu.memory_space<vmem>>, vector<16xf32>,
      tpu.vector_store %arg9[%swap3A_232, %swap3A_233], %get3A_231 {strides = array<i32>} : memref<128x64xf32, #tpu.memory_space<vmem>>, vector<16xf32>,
      %get3A_235 = arith.index_cast %add3A_228 : i32 to index
      %get3A_236 = arith.constant 16 : index
      %get3A_237 = tpu.vector_load %arg7[%get3A_235, %get3A_236] {strides = array<i32>} : memref<128x128xf32, #tpu.memory_space<vmem>>, vector<16xf32>,
      %swap3A_238 = arith.index_cast %add3A_228 : i32 to index
      %swap3A_239 = arith.constant 16 : index
      %swap3A_240 = tpu.vector_load %arg9[%swap3A_238, %swap3A_239] {strides = array<i32>} : memref<128x64xf32, #tpu.memory_space<vmem>>, vector<16xf32>,
      tpu.vector_store %arg9[%swap3A_238, %swap3A_239], %get3A_237 {strides = array<i32>} : memref<128x64xf32, #tpu.memory_space<vmem>>, vector<16xf32>,
      %get3A_241 = arith.index_cast %add3A_228 : i32 to index
      %get3A_242 = arith.constant 32 : index
      %get3A_243 = tpu.vector_load %arg7[%get3A_241, %get3A_242] {strides = array<i32>} : memref<128x128xf32, #tpu.memory_space<vmem>>, vector<16xf32>,
      %swap3A_244 = arith.index_cast %add3A_228 : i32 to index
      %swap3A_245 = arith.constant 32 : index
      %swap3A_246 = tpu.vector_load %arg9[%swap3A_244, %swap3A_245] {strides = array<i32>} : memref<128x64xf32, #tpu.memory_space<vmem>>, vector<16xf32>,
      tpu.vector_store %arg9[%swap3A_244, %swap3A_245], %get3A_243 {strides = array<i32>} : memref<128x64xf32, #tpu.memory_space<vmem>>, vector<16xf32>,
      %get3A_247 = arith.index_cast %add3A_228 : i32 to index
      %get3A_248 = arith.constant 48 : index
      %get3A_249 = tpu.vector_load %arg7[%get3A_247, %get3A_248] {strides = array<i32>} : memref<128x128xf32, #tpu.memory_space<vmem>>, vector<16xf32>,
      %swap3A_250 = arith.index_cast %add3A_228 : i32 to index
      %swap3A_251 = arith.constant 48 : index
      %swap3A_252 = tpu.vector_load %arg9[%swap3A_250, %swap3A_251] {strides = array<i32>} : memref<128x64xf32, #tpu.memory_space<vmem>>, vector<16xf32>,
      tpu.vector_store %arg9[%swap3A_250, %swap3A_251], %get3A_249 {strides = array<i32>} : memref<128x64xf32, #tpu.memory_space<vmem>>, vector<16xf32>,
    }
    %scan3A_123 = arith.constant 32 : i32
    %add3A_124 = arith.constant 25472 : i32
    %add3A_125 = arith.addi %mul3A_2, %add3A_124 : i32
    %dma_start3A_126 = arith.constant 0 : i32
    %dma_start3A_127 = tpu.memref_slice %arg4[%add3A_125, %dma_start3A_126] : memref<819200x64xf32, #tpu.memory_space<hbm>> -> memref<128x64xf32, #tpu.memory_space<hbm>>
    %dma_start3A_128 = arith.constant 0 : i32
    %dma_start3A_129 = tpu.memref_slice %arg4[%add3A_125, %dma_start3A_128] : memref<819200x64xf32, #tpu.memory_space<hbm>> -> memref<128x64xf32, #tpu.memory_space<hbm>>
    tpu.enqueue_dma source(%arg9 : memref<128x64xf32, #tpu.memory_space<vmem>>) target(%dma_start3A_129 : memref<128x64xf32, #tpu.memory_space<hbm>>) target_semaphore(%arg13 : memref<!tpu.dma_semaphore, #tpu.memory_space<semaphore_mem>>)
    %dma_wait3A_130 = arith.constant 0 : i32
    %dma_wait3A_131 = arith.constant 0 : i32
    %dma_wait3A_132 = tpu.memref_slice %arg4[%dma_wait3A_130, %dma_wait3A_131] : memref<819200x64xf32, #tpu.memory_space<hbm>> -> memref<128x64xf32, #tpu.memory_space<hbm>>
    %dma_wait3A_133 = arith.constant 0 : i32
    %dma_wait3A_134 = arith.constant 0 : i32
    %dma_wait3A_135 = tpu.memref_slice %arg4[%dma_wait3A_133, %dma_wait3A_134] : memref<819200x64xf32, #tpu.memory_space<hbm>> -> memref<128x64xf32, #tpu.memory_space<hbm>>
    tpu.wait_dma2 semaphore(%arg12 : memref<!tpu.dma_semaphore, #tpu.memory_space<semaphore_mem>>) src(%dma_wait3A_135 : memref<128x64xf32, #tpu.memory_space<hbm>>) dst(%arg8 : memref<128x64xf32, #tpu.memory_space<vmem>>)
    %dma_wait3A_136 = arith.constant 0 : i32
    %dma_wait3A_137 = arith.constant 0 : i32
    %dma_wait3A_138 = tpu.memref_slice %arg4[%dma_wait3A_136, %dma_wait3A_137] : memref<819200x64xf32, #tpu.memory_space<hbm>> -> memref<128x64xf32, #tpu.memory_space<hbm>>
    %dma_wait3A_139 = arith.constant 0 : i32
    %dma_wait3A_140 = arith.constant 0 : i32
    %dma_wait3A_141 = tpu.memref_slice %arg4[%dma_wait3A_139, %dma_wait3A_140] : memref<819200x64xf32, #tpu.memory_space<hbm>> -> memref<128x64xf32, #tpu.memory_space<hbm>>
    tpu.wait_dma2 semaphore(%arg13 : memref<!tpu.dma_semaphore, #tpu.memory_space<semaphore_mem>>) src(%dma_wait3A_141 : memref<128x64xf32, #tpu.memory_space<hbm>>) dst(%arg9 : memref<128x64xf32, #tpu.memory_space<vmem>>)
    return
  }
}

module attributes {stable_mosaic.version = 14 : i64} {
  func.func @_pad_block(%arg0: i32, %arg1: memref<8000x64xf32, #tpu.memory_space<vmem>>, %arg2: memref<8000x128xf32, #tpu.memory_space<vmem>>) attributes {dimension_semantics = [#tpu.dimension_semantics<arbitrary>], iteration_bounds = array<i64: 125>, scalar_prefetch = 0 : i64, scratch_operands = 0 : i64, tpu.core_type = #tpu.core_type<tc>, window_params = [{transform_indices = @transform_0, window_bounds = array<i64: 8000, 64>}, {transform_indices = @transform_1, window_bounds = array<i64: 8000, 128>}]} {
    %get3A = arith.constant 0 : index
    %get3A_0 = arith.constant 0 : index
    %get3A_1 = vector.load %arg1[%get3A, %get3A_0] : memref<8000x64xf32, #tpu.memory_space<vmem>>, vector<8000x64xf32>
    %swap3A = arith.constant 0 : index
    %swap3A_2 = arith.constant 0 : index
    %swap3A_3 = vector.load %arg2[%swap3A, %swap3A_2] : memref<8000x128xf32, #tpu.memory_space<vmem>>, vector<8000x64xf32>
    tpu.vector_store %arg2[%swap3A, %swap3A_2], %get3A_1 {strides = array<i32>} : memref<8000x128xf32, #tpu.memory_space<vmem>>, vector<8000x64xf32>,
    %broadcast_in_dim3A = arith.constant 0.000000e+00 : f32
    %broadcast_in_dim3A_4 = vector.broadcast %broadcast_in_dim3A : f32 to vector<8000x64xf32>
    %swap3A_5 = arith.constant 0 : index
    %swap3A_6 = arith.constant 64 : index
    %swap3A_7 = vector.load %arg2[%swap3A_5, %swap3A_6] : memref<8000x128xf32, #tpu.memory_space<vmem>>, vector<8000x64xf32>
    tpu.vector_store %arg2[%swap3A_5, %swap3A_6], %broadcast_in_dim3A_4 {strides = array<i32>} : memref<8000x128xf32, #tpu.memory_space<vmem>>, vector<8000x64xf32>,
    return
  }
  func.func @transform_0(%arg0: i32) -> (i32, i32) {
    %c0_i32 = arith.constant 0 : i32
    %c0_i32_0 = arith.constant 0 : i32
    return %arg0, %c0_i32 : i32, i32
  }
  func.func @transform_1(%arg0: i32) -> (i32, i32) {
    %c0_i32 = arith.constant 0 : i32
    %c0_i32_0 = arith.constant 0 : i32
    return %arg0, %c0_i32 : i32, i32
  }
}

</mosaic_0001>

<sc_bundles>
// kernel: kernel.4.cloned.1.call-start
scs
__scs_entry_jumppad:
0x0: {  	(pc) =	sbr.rel $0x88, $3  }
0x1: {  	(tag) =	ssettag $0x0;
	lr =	simm.s32 $0x1  }
0x2: {  	[smem:$0x3F9F] =	sst lr;
	_ =	strace $0xD0000000  }
0x3: {  	_ = 	snop  }
0x4: {  	_ = 	snop  }
0x5: {  	_ = 	snop  }
0x6: {  	_ = 	snop  }
0x7: {  	_ = 	snop  }
__scs_overlays_trampoline_lowered:
0x8: {  	[smem:$0x3FAE] =	sst s0  }
0x9: {  	[smem:$0x3FAF] =	sst s1  }
0xa: {  	[smem:$0x3FB0] =	sst s2  }
0xb: {  	[smem:$0x3FB1] =	sst s3  }
0xc: {  	[smem:$0x3FB2] =	sst s4  }
0xd: {  	[smem:$0x3FB3] =	sst s5  }
0xe: {  	[smem:$0x3FB4] =	sst s6  }
0xf: {  	[smem:$0x3FB5] =	sst s7  }
0x10: {  	[smem:$0x3FB6] =	sst s8  }
0x11: {  	[smem:$0x3FB7] =	sst s9;
	s0 =	simm.s32 @!p0 $0x0  }
0x12: {  	s1 =	sld [smem:$0x3F9D];
	s0 =	simm.s32 @p0 $0x1  }
0x13: {  	[smem:$0x3FB8] =	sst s0;
	s0 =	simm.s32 @!p1 $0x0  }
0x14: {  	s2 =	sld [smem:$0x3F9C];
	s0 =	simm.s32 @p1 $0x1  }
0x15: {  	[smem:$0x3FB9] =	sst s0;
	s0 =	simm.s32 @!p2 $0x0  }
0x16: {  	s3 =	sld [smem:$0x3FDB];
	s0 =	simm.s32 @p2 $0x1  }
0x17: {  	s4 =	simm.s32 $0x1BF5;
	[smem:$0x3FBB] =	sst s0  }
0x18: {  	s0 =	sld [smem:$0x3F9E];
	_ =	swait.ge [sflag:s4], $0x0  }
0x19: {  	s7 =	sld [smem:$0x3F9F]  }
0x1a: {  	s8 =	sadd.s32 $0xFFFFE003, lr  }
0x1b: {  	s9 =	sadd.s32 $0xFFFFFEF7, lr;
	s5 =	simm.s32 $0xFFFFFFFF;
	p2 =	slt.u32 s8, $0xFFFFF086  }
0x1c: {  	p1 =	slt.u32 s9, $0xF7A;
	s5 =	simm.s32 @!p2 $0x0  }
0x1d: {  	s5 =	simm.s32 @p1 $0x1;
	p0 =	seq.s32 s7, s2  }
0x1e: {  	s7 =	smul.u32 @!p0 $0xF7A, s2;
	p2 =	seq.s32 @!p0 s5, $0x0  }
0x1f: {  	s9 =	smul.u32 $0xF7A, s1;
	s8 =	simm.s32 @!p0 $0x1BF5;
	p2 =	por !p2, p0  }
0x20: {  	[sflag:s8] =	ssyncset.s32 @!p0 $0xFFFFF086;
	s6 =	sadd.s32 @!p0 s3, s7;
	s7 =	simm.s32 @!p0 $0x108  }
0x21: {  	s3 =	sadd.s32 s3, s9;
	s6 =	sadd.s32 @!p0 $0x88, s6;
	s7 =	simm.s32 @p2 $0x1082  }
0x22: {  	[simem:s7], [sflag:s8] =	dma.local @!p0 [hbm:s6], $0xF7A  }
0x23: {  	s9 =	sor.u32 $0xD0000000, s2;
	s6 =	simm.s32 $0x108;
	_ =	swait.ge @!p0 [sflag:s8], $0x0  }
0x24: {  	s3 =	sadd.s32 $0x88, s3;
	s6 =	simm.s32 @!p1 $0x1082;
	[sflag:s4] =	ssyncset.s32 $0xFFFFF086  }
0x25: {  	[simem:s6], [sflag:s4] =	dma.local [hbm:s3], $0xF7A  }
0x26: {  	[smem:$0x3F9F] =	sst s1;
	(tag) =	ssettag s2;
	_ =	strace s9  }
0x27: {  	s1 =	sld [smem:$0x3FAF]  }
0x28: {  	s2 =	sld [smem:$0x3FB0]  }
0x29: {  	s4 =	sld [smem:$0x3FB2]  }
0x2a: {  	p0 =	seq.s32 s5, $0x0;
	s5 =	sld [smem:$0x3FB3]  }
0x2b: {  	s6 =	sld [smem:$0x3FB4]  }
0x2c: {  	s7 =	sld [smem:$0x3FB5]  }
0x2d: {  	s3 =	simm.s32 $0x108;
	s8 =	sld [smem:$0x3FB6]  }
0x2e: {  	s3 =	simm.s32 @!p0 $0x1082;
	s9 =	sld [smem:$0x3FB7]  }
0x2f: {  	lr =	sadd.s32 s0, s3;
	s0 =	sld [smem:$0x3FAE]  }
0x30: {  	s3 =	sld [smem:$0x3FB1]  }
0x31: {  	[smem:$0x3FBA] =	sst s10  }
0x32: {  	s10 =	sld [smem:$0x3FB8];
	_ =	sdelay $0x3  }
0x33: {  	p0 =	seq.s32 s10, $0x1;
	s10 =	sld [smem:$0x3FBA];
	_ =	sdelay $0x3  }
0x34: {  	[smem:$0x3FBA] =	sst s10  }
0x35: {  	s10 =	sld [smem:$0x3FB9];
	_ =	sdelay $0x3  }
0x36: {  	p1 =	seq.s32 s10, $0x1;
	s10 =	sld [smem:$0x3FBA];
	_ =	sdelay $0x3  }
0x37: {  	[smem:$0x3FBA] =	sst s10  }
0x38: {  	s10 =	sld [smem:$0x3FBB]  }
0x39: {  	_ = 	snop;
	(pc) =	sbr.ind lr, $3  }
0x3a: {  	_ = 	snop  }
0x3b: {  	_ = 	snop  }
0x3c: {  	p2 =	seq.s32 s10, $0x1;
	s10 =	sld [smem:$0x3FBA]  }
0x3d: {  	_ =	shalt  }
0x3e: {  	_ =	shalt  }
0x3f: {  	_ =	shalt  }
0x40: {  	_ =	shalt  }
0x41: {  	_ =	shalt  }
0x42: {  	_ =	shalt  }
0x43: {  	_ =	shalt  }
0x44: {  	_ =	shalt  }
0x45: {  	_ =	shalt  }
0x46: {  	_ =	shalt  }
0x47: {  	_ =	shalt  }
0x48: {  	_ =	shalt  }
0x49: {  	_ =	shalt  }
0x4a: {  	_ =	shalt  }
0x4b: {  	_ =	shalt  }
0x4c: {  	_ =	shalt  }
0x4d: {  	_ =	shalt  }
0x4e: {  	_ =	shalt  }
0x4f: {  	_ =	shalt  }
0x50: {  	_ =	shalt  }
0x51: {  	_ =	shalt  }
0x52: {  	_ =	shalt  }
0x53: {  	_ =	shalt  }
0x54: {  	_ =	shalt  }
0x55: {  	_ =	shalt  }
0x56: {  	_ =	shalt  }
0x57: {  	_ =	shalt  }
0x58: {  	_ =	shalt  }
0x59: {  	_ =	shalt  }
0x5a: {  	_ =	shalt  }
0x5b: {  	_ =	shalt  }
0x5c: {  	_ =	shalt  }
0x5d: {  	_ =	shalt  }
0x5e: {  	_ =	shalt  }
0x5f: {  	_ =	shalt  }
0x60: {  	_ =	shalt  }
0x61: {  	_ =	shalt  }
0x62: {  	_ =	shalt  }
0x63: {  	_ =	shalt  }
0x64: {  	_ =	shalt  }
0x65: {  	_ =	shalt  }
0x66: {  	_ =	shalt  }
0x67: {  	_ =	shalt  }
0x68: {  	_ =	shalt  }
0x69: {  	_ =	shalt  }
0x6a: {  	_ =	shalt  }
0x6b: {  	_ =	shalt  }
0x6c: {  	_ =	shalt  }
0x6d: {  	_ =	shalt  }
0x6e: {  	_ =	shalt  }
0x6f: {  	_ =	shalt  }
0x70: {  	_ =	shalt  }
0x71: {  	_ =	shalt  }
0x72: {  	_ =	shalt  }
0x73: {  	_ =	shalt  }
0x74: {  	_ =	shalt  }
0x75: {  	_ =	shalt  }
0x76: {  	_ =	shalt  }
0x77: {  	_ =	shalt  }
0x78: {  	_ =	shalt  }
0x79: {  	_ =	shalt  }
0x7a: {  	_ =	shalt  }
0x7b: {  	_ =	shalt  }
0x7c: {  	_ =	shalt  }
0x7d: {  	_ =	shalt  }
0x7e: {  	_ =	shalt  }
0x7f: {  	_ =	shalt  }
0x80: {  	_ =	shalt  }
0x81: {  	_ =	shalt  }
0x82: {  	_ =	shalt  }
0x83: {  	_ =	shalt  }
0x84: {  	_ =	shalt  }
0x85: {  	_ =	shalt  }
0x86: {  	_ =	shalt  }
0x87: {  	_ =	shalt  }
.Lfunc_end0:
.L_simem_size_0:
called_computation.1_lowered:
.L_overlay_start_0:
0x88: {  	s2 =	sld [smem:$0x3FD9]  }
0x89: {  	s3 =	sld [smem:$0x3FFE];
	_ =	sdelay $0x1  }
0x8a: {  	s1 =	srdreg.scid  }
0x8b: {  	s0 =	sand.u32 $0x1, s1  }
0x8c: {  	s17 =	sshll.u32 s0, $0xA;
	s2 =	sadd.s32 s3, s2  }
0x8d: {  	s2 =	sadd.s32 s2, s17  }
0x8e: {  	[smem:$0x3FC6] =	sst s2  }
0x8f: {  	_ = 	snop  }
0x90: {  	s2 =	sld [smem:$0x3FD0];
	(tm) =	ssettm $0x1  }
0x91: {  	s18 =	sld [smem:$0x3FFB];
	_ =	sdelay $0x3  }
0x92: {  	_ =	strace s18  }
0x93: {  	s3 =	sld [smem:$0x3FFC];
	_ =	sdelay $0x3  }
0x94: {  	_ =	strace s3  }
0x95: {  	s3 =	sld [smem:$0x3FFD];
	_ =	sdelay $0x3  }
0x96: {  	_ =	strace s3  }
0x97: {  	_ =	strace $0x8FFFFFFF  }
0x98: {  	s19 =	sld [smem:$0x3FDB];
	_ =	sdelay $0x1  }
0x99: {  	s4 =	simm.s32 $_scs_section_size  }
0x9a: {  	s5 =	simm.s32 $_size__tile_overlayer_lowered;
	s6 =	simm.s32 $_tile_overlayer_lowered  }
0x9b: {  	s22 =	simm.s32 $0x1BFF;
	s21 =	sshll.u32 s6, $0x1;
	s3 =	sadd.s32 s4, s19  }
0x9c: {  	s7 =	simm.s32 $0x0;
	s20 =	sshll.u32 s5, $0x1;
	s5 =	sadd.s32 s21, s3  }
0x9d: {  	[timem:s7], [sflag:s22] =	dma.local [hbm:s5], s20  }
0x9e: {  	_ =	swait.ge [sflag:s22], s20  }
0x9f: {  	s4 =	ssub.s32 $0x0, s20;
	[sflag:s22] =	ssyncset.done $0x0  }
0xa0: {  	[sflag:s22] =	ssyncadd.s32 s4;
	_ =	sdelay $0x1  }
0xa1: {  	s23 =	simm.s32 $0x1B8B  }
0xa2: {  	_ =	swait.ge [sflag:s23], $0x1  }
0xa3: {  	[sflag:s23] =	ssyncset.done $0x0  }
0xa4: {  	s25 =	simm.s32 $0x1B8E;
	s24 =	sld [smem:$0x3FFE];
	[sflag:s23] =	ssyncadd.s32 $0xFFFFFFFF  }
0xa5: {  	s26 =	simm.s32 $execute0_lowered;
	[smem:$0x3FD2] =	sst s25  }
0xa6: {  	s5 =	sshll.u32 s26, $0x1;
	_ =	strace $0x80000046;
	[dreg:$0x1] =	wrdreg $0xFFFFFFFF  }
0xa7: {  	s28 =	simm.s32 $_size_execute0_lowered;
	s3 =	sadd.s32 s3, s5;
	[dreg:$0x0] =	wrdreg $0x0  }
0xa8: {  	s5 =	sshll.u32 s28, $0x1;
	[dreg:$0x2] =	wrdreg s3  }
0xa9: {  	[dreg:$0x3] =	wrdreg s5  }
0xaa: {  	[dreg:$0x4] =	wrdreg $0xC0  }
0xab: {  	_ =	task [dreg:s7], $0x5FFFF  }
0xac: {  	[dreg:$0x1] =	wrdreg $0xFFFFFFFF  }
0xad: {  	[dreg:$0x0] =	wrdreg $0x60  }
0xae: {  	[dreg:$0x2] =	wrdreg s2  }
0xaf: {  	[dreg:$0x3] =	wrdreg s24  }
0xb0: {  	[dreg:$0x4] =	wrdreg $0x9  }
0xb1: {  	_ =	task.clear_ibuf [dreg:s7], $0x5FFFF;
	_ =	strace $0x90000046  }
0xb2: {  	s29 =	simm.s32 $0x9;
	_ =	strace $0x80000048  }
0xb3: {  	_ =	swait.ge [sflag:s29], $0x1  }
0xb4: {  	[sflag:s29] =	ssyncadd.s32 $0xFFFFFFFF  }
0xb5: {  	_ =	strace $0x90000048  }
0xb6: {  	_ =	sfence  }
0xb7: {  	s30 =	sld [smem:$0x0];
	_ =	sdelay $0x2  }
0xb8: {  	s31 =	sshll.u32 s1, $0xD;
	s1 =	sshrl.u32 s1, $0x2  }
0xb9: {  	s3 =	sand.u32 $0x4000, s31;
	s1 =	sadd.s32 s1, s30  }
0xba: {  	s0 =	sor.u32 s3, s0;
	s1 =	sshll.u32 s1, $0x11  }
0xbb: {  	s0 =	sor.u32 s1, s0  }
0xbc: {  	s0 =	sadd.s32 $0x8F2B, s0  }
0xbd: {  	[sflag:s0] =	ssyncadd.remote.s32 $0x1  }
0xbe: {  	_ =	sfence.sel $0xFFFF  }
0xbf: {  	[dreg:$0x0] =	wrdreg $0xFFFFFFFF;
	(pc) =	sbr.abs _section_cstart, $3  }
0xc0: {  	[dreg:$0x1] =	wrdreg $0xFFFFFFFF  }
0xc1: {  	_ =	task.clear_ibuf [dreg:s7], $0x2FFFF;
	_ =	strace $0x9FFFFFFF  }
0xc2: {  	(tm) =	ssettm $0x7FFFFFFF  }
0xc3: {  	_ =	shalt  }
tec
execute0_lowered:
.L_overlay_start_1:
0x0: {  	(tag) =	ssettag $0x1  }
0x1: {  	s1 =	srdreg.scid  }
0x2: {  	s0 =	stileid.u32;
	s6 =	rddreg [dreg:$0x0]  }
0x3: {  	s4 =	rddreg [dreg:$0x1];
	s13 =	simm.s32 $0x5;
	s14 =	simm.s32 $0x80  }
0x4: {  	s15 =	simm.s32 $0x6400;
	s16 =	simm.s32 $0xA400;
	s17 =	simm.s32 $0x1  }
0x5: {  	s18 =	simm.s32 $0xE400;
	s19 =	simm.s32 $0x100;
	s20 =	simm.s32 $0x2  }
0x6: {  	s21 =	simm.s32 $0x12400;
	s1 =	sand.u32 $0x1, s1;
	s2 =	sshll.u32 s0, $0x1  }
0x7: {  	s22 =	simm.s32 $0x180;
	s23 =	simm.s32 $0x3;
	s3 =	sor.u32 s1, s2  }
0x8: {  	s24 =	simm.s32 $0x4;
	s25 =	simm.s32 $0x0;
	s9 =	smul.u32 $0x6400, s3  }
0x9: {  	s2 =	simm.s32 $0x0;
	s1 =	ssub.s32 $0x2, s1;
	s5 =	smul.u32 $0x64000, s3  }
0xa: {  	[smem:$0x7FF] =	sst s2;
	s8 =	smul.u32 $0x320000, s3;
	s3 =	sadd.s32 $0xF42E00, s4  }
0xb: {  	s7 =	sshrl.u32 s1, $0x1;
	s4 =	sadd.s32 $0xA00, s4;
	_ =	strace $0x80000047  }
0xc: {  	s1 =	ssub.s32 s1, s7;
	s31 =	sshrl.u32 s9, $0x3;
	s5 =	sadd.s32 s4, s5  }
0xd: {  	s8 =	sshrl.u32 s8, $0x3;
	s12 =	smax.u32 s1, $0x1;
	s6 =	sadd.s32 s6, s31  }
0xe: {  	s7 =	sadd.s32 $0x800, s5;
	s11 =	sadd.s32 s4, s8;
	s8 =	sor.u32 $0x100, s9  }
0xf: {  	s9 =	sor.u32 $0x180, s9;
	s10 =	sadd.s32 $0x63000, s11;
	s11 =	sadd.s32 $0x63800, s11  }
.LBB2_1:
0x10: {  	[tilespmem:s2], [sflag:$0x5] =	stream.linear.gather [hbm4b:s6+s2], $0x6400, $0x38;
	[tilespmem:$0x16400] =	vst v63  }
0x11: {  	_ =	swait.ge [sflag:s13], $0x6400  }
0x12: {  	[sflag:s13] =	ssyncset.done $0x0  }
0x13: {  	[sflag:s13] =	ssyncadd.s32 $0xFFFF9C00  }
0x14: {  	[tilespmem:s15], [sflag:$0x1] =	stream.indirect.gather [hbm4b:s3+s14], $0x80, s2, s14, $0xb8;
	[tilespmem:$0x16400] =	vst v63  }
0x15: {  	_ = 	snop  }
0x16: {  	[tilespmem:s16], [sflag:$0x2] =	stream.indirect.gather [hbm4b:s3+s14], $0x80, s14, s14, $0xb8;
	[tilespmem:$0x16400] =	vst v63  }
0x17: {  	_ =	swait.ge [sflag:s17], $0x4000  }
0x18: {  	[sflag:s17] =	ssyncset.done $0x0  }
0x19: {  	s26 =	simm.s32 $0x0;
	[sflag:s17] =	ssyncadd.s32 $0xFFFFC000  }
0x1a: {  	v0 =	vld [tilespmem:s26+$0x65B0]  }
0x1b: {  	v1 =	vld [tilespmem:s26+$0x6400]  }
0x1c: {  	v2 =	vld [tilespmem:s26+$0x6410]  }
0x1d: {  	v3 =	vld [tilespmem:s26+$0x6420]  }
0x1e: {  	v4 =	vld [tilespmem:s26+$0x6430]  }
0x1f: {  	v5 =	vld [tilespmem:s26+$0x6480];
	[tilespmem:s26+$0xE5B0] =	vst v0  }
0x20: {  	[tilespmem:s26+$0xE400] =	vst v1;
	v0 =	vld [tilespmem:s26+$0x6490]  }
0x21: {  	[tilespmem:s26+$0xE410] =	vst v2;
	v1 =	vld [tilespmem:s26+$0x64A0]  }
0x22: {  	[tilespmem:s26+$0xE420] =	vst v3;
	v2 =	vld [tilespmem:s26+$0x64B0]  }
0x23: {  	[tilespmem:s26+$0xE430] =	vst v4;
	v3 =	vld [tilespmem:s26+$0x6500]  }
0x24: {  	[tilespmem:s26+$0xE480] =	vst v5;
	v4 =	vld [tilespmem:s26+$0x6510]  }
0x25: {  	[tilespmem:s26+$0xE490] =	vst v0;
	v0 =	vld [tilespmem:s26+$0x6520]  }
0x26: {  	[tilespmem:s26+$0xE4A0] =	vst v1;
	v1 =	vld [tilespmem:s26+$0x6530]  }
0x27: {  	[tilespmem:s26+$0xE4B0] =	vst v2;
	v2 =	vld [tilespmem:s26+$0x6580]  }
0x28: {  	[tilespmem:s26+$0xE500] =	vst v3;
	v3 =	vld [tilespmem:s26+$0x6590]  }
0x29: {  	s28 =	simm.s32 $0x200;
	s29 =	simm.s32 $0x1000;
	[tilespmem:s26+$0xE510] =	vst v4;
	v4 =	vld [tilespmem:s26+$0x65A0]  }
.LBB2_2:
0x2a: {  	p0 =	sne.s32 s29, $0xF800;
	v5 =	vld [tilespmem:s28+$0x65B0];
	[tilespmem:s26+$0xE520] =	vst v0  }
0x2b: {  	v0 =	vld [tilespmem:s28+$0x6400];
	[tilespmem:s26+$0xE530] =	vst v1  }
0x2c: {  	v1 =	vld [tilespmem:s28+$0x6410];
	[tilespmem:s26+$0xE580] =	vst v2  }
0x2d: {  	v2 =	vld [tilespmem:s28+$0x6420];
	[tilespmem:s26+$0xE590] =	vst v3  }
0x2e: {  	v3 =	vld [tilespmem:s28+$0x6430];
	[tilespmem:s26+$0xE5A0] =	vst v4;
	s26 =	smov.u32 s28  }
0x2f: {  	v4 =	vld [tilespmem:s26+$0x6480];
	[tilespmem:s26+$0xE5B0] =	vst v5  }
0x30: {  	[tilespmem:s26+$0xE400] =	vst v0;
	v0 =	vld [tilespmem:s26+$0x6490]  }
0x31: {  	[tilespmem:s26+$0xE410] =	vst v1;
	v1 =	vld [tilespmem:s26+$0x64A0]  }
0x32: {  	[tilespmem:s26+$0xE420] =	vst v2;
	v2 =	vld [tilespmem:s26+$0x64B0]  }
0x33: {  	[tilespmem:s26+$0xE430] =	vst v3;
	v3 =	vld [tilespmem:s26+$0x6500]  }
0x34: {  	[tilespmem:s26+$0xE480] =	vst v4;
	v4 =	vld [tilespmem:s26+$0x6510]  }
.Ltmp0:
0x35: {  	[tilespmem:s26+$0xE490] =	vst v0;
	v0 =	vld [tilespmem:s26+$0x6520];
	(pc) =	sbr.rel @p0 .LBB2_2-.Ltmp0, $4  }
0x36: {  	[tilespmem:s26+$0xE4A0] =	vst v1;
	v1 =	vld [tilespmem:s26+$0x6530]  }
0x37: {  	[tilespmem:s26+$0xE4B0] =	vst v2;
	v2 =	vld [tilespmem:s26+$0x6580]  }
0x38: {  	[tilespmem:s26+$0xE500] =	vst v3;
	v3 =	vld [tilespmem:s26+$0x6590]  }
0x39: {  	s28 =	sshra.s32 s29, $0x2;
	s29 =	sadd.s32 $0x800, s29;
	[tilespmem:s26+$0xE510] =	vst v4;
	v4 =	vld [tilespmem:s26+$0x65A0]  }
0x3a: {  	v5 =	vld [tilespmem:s28+$0x65B0];
	[tilespmem:s26+$0xE520] =	vst v0  }
0x3b: {  	v0 =	vld [tilespmem:s28+$0x6400];
	[tilespmem:s26+$0xE530] =	vst v1  }
0x3c: {  	v1 =	vld [tilespmem:s28+$0x6410];
	[tilespmem:s26+$0xE580] =	vst v2  }
0x3d: {  	v2 =	vld [tilespmem:s28+$0x6420];
	[tilespmem:s26+$0xE590] =	vst v3  }
0x3e: {  	v3 =	vld [tilespmem:s28+$0x6430];
	[tilespmem:s26+$0xE5A0] =	vst v4  }
0x3f: {  	v4 =	vld [tilespmem:s28+$0x6480];
	[tilespmem:s28+$0xE5B0] =	vst v5  }
0x40: {  	[tilespmem:s28+$0xE400] =	vst v0;
	v0 =	vld [tilespmem:s28+$0x6490]  }
0x41: {  	[tilespmem:s28+$0xE410] =	vst v1;
	v1 =	vld [tilespmem:s28+$0x64A0]  }
0x42: {  	[tilespmem:s28+$0xE420] =	vst v2;
	v2 =	vld [tilespmem:s28+$0x64B0]  }
0x43: {  	[tilespmem:s28+$0xE430] =	vst v3;
	v3 =	vld [tilespmem:s28+$0x6500]  }
0x44: {  	[tilespmem:s28+$0xE480] =	vst v4;
	v4 =	vld [tilespmem:s28+$0x6510]  }
0x45: {  	[tilespmem:s28+$0xE490] =	vst v0;
	v0 =	vld [tilespmem:s28+$0x6520]  }
0x46: {  	[tilespmem:s28+$0xE4A0] =	vst v1;
	v1 =	vld [tilespmem:s28+$0x6530]  }
0x47: {  	[tilespmem:s28+$0xE4B0] =	vst v2;
	v2 =	vld [tilespmem:s28+$0x6580]  }
0x48: {  	[tilespmem:s28+$0xE500] =	vst v3;
	v3 =	vld [tilespmem:s28+$0x6590]  }
0x49: {  	[tilespmem:s28+$0xE510] =	vst v4;
	v4 =	vld [tilespmem:s28+$0x65A0]  }
0x4a: {  	[tilespmem:s28+$0xE520] =	vst v0  }
0x4b: {  	[tilespmem:s28+$0xE530] =	vst v1  }
0x4c: {  	[tilespmem:s28+$0xE580] =	vst v2  }
0x4d: {  	[tilespmem:s28+$0xE590] =	vst v3  }
0x4e: {  	s1 =	simm.s32 $0x0;
	[tilespmem:s28+$0xE5A0] =	vst v4  }
0x4f: {  	[hbm4b:s5+s1] =	stream.linear.scatter [tilespmem:s18], [sflag:$0x3], $0x4000, $0x38;
	[tilespmem:$0x16400] =	vst v63  }
0x50: {  	_ = 	snop  }
0x51: {  	[tilespmem:s15], [sflag:$0x1] =	stream.indirect.gather [hbm4b:s3+s14], $0x80, s19, s14, $0xb8;
	[tilespmem:$0x16400] =	vst v63  }
0x52: {  	_ =	swait.ge [sflag:s20], $0x4000  }
0x53: {  	[sflag:s20] =	ssyncset.done $0x0  }
0x54: {  	s26 =	simm.s32 $0x0;
	[sflag:s20] =	ssyncadd.s32 $0xFFFFC000  }
0x55: {  	v0 =	vld [tilespmem:s26+$0xA5B0]  }
0x56: {  	v1 =	vld [tilespmem:s26+$0xA400]  }
0x57: {  	v2 =	vld [tilespmem:s26+$0xA410]  }
0x58: {  	v3 =	vld [tilespmem:s26+$0xA420]  }
0x59: {  	v4 =	vld [tilespmem:s26+$0xA430]  }
0x5a: {  	v5 =	vld [tilespmem:s26+$0xA480];
	[tilespmem:s26+$0x125B0] =	vst v0  }
0x5b: {  	[tilespmem:s26+$0x12400] =	vst v1;
	v0 =	vld [tilespmem:s26+$0xA490]  }
0x5c: {  	[tilespmem:s26+$0x12410] =	vst v2;
	v1 =	vld [tilespmem:s26+$0xA4A0]  }
0x5d: {  	[tilespmem:s26+$0x12420] =	vst v3;
	v2 =	vld [tilespmem:s26+$0xA4B0]  }
0x5e: {  	[tilespmem:s26+$0x12430] =	vst v4;
	v3 =	vld [tilespmem:s26+$0xA500]  }
0x5f: {  	[tilespmem:s26+$0x12480] =	vst v5;
	v4 =	vld [tilespmem:s26+$0xA510]  }
0x60: {  	[tilespmem:s26+$0x12490] =	vst v0;
	v0 =	vld [tilespmem:s26+$0xA520]  }
0x61: {  	[tilespmem:s26+$0x124A0] =	vst v1;
	v1 =	vld [tilespmem:s26+$0xA530]  }
0x62: {  	[tilespmem:s26+$0x124B0] =	vst v2;
	v2 =	vld [tilespmem:s26+$0xA580]  }
0x63: {  	[tilespmem:s26+$0x12500] =	vst v3;
	v3 =	vld [tilespmem:s26+$0xA590]  }
0x64: {  	s29 =	simm.s32 $0x1000;
	s28 =	simm.s32 $0x200;
	[tilespmem:s26+$0x12510] =	vst v4;
	v4 =	vld [tilespmem:s26+$0xA5A0]  }
.LBB2_4:
0x65: {  	p0 =	sne.s32 s29, $0xF800;
	v5 =	vld [tilespmem:s28+$0xA5B0];
	[tilespmem:s26+$0x12520] =	vst v0  }
0x66: {  	v0 =	vld [tilespmem:s28+$0xA400];
	[tilespmem:s26+$0x12530] =	vst v1  }
0x67: {  	v1 =	vld [tilespmem:s28+$0xA410];
	[tilespmem:s26+$0x12580] =	vst v2  }
0x68: {  	v2 =	vld [tilespmem:s28+$0xA420];
	[tilespmem:s26+$0x12590] =	vst v3  }
0x69: {  	v3 =	vld [tilespmem:s28+$0xA430];
	[tilespmem:s26+$0x125A0] =	vst v4;
	s26 =	smov.u32 s28  }
0x6a: {  	v4 =	vld [tilespmem:s26+$0xA480];
	[tilespmem:s26+$0x125B0] =	vst v5  }
0x6b: {  	[tilespmem:s26+$0x12400] =	vst v0;
	v0 =	vld [tilespmem:s26+$0xA490]  }
0x6c: {  	[tilespmem:s26+$0x12410] =	vst v1;
	v1 =	vld [tilespmem:s26+$0xA4A0]  }
0x6d: {  	[tilespmem:s26+$0x12420] =	vst v2;
	v2 =	vld [tilespmem:s26+$0xA4B0]  }
0x6e: {  	[tilespmem:s26+$0x12430] =	vst v3;
	v3 =	vld [tilespmem:s26+$0xA500]  }
0x6f: {  	[tilespmem:s26+$0x12480] =	vst v4;
	v4 =	vld [tilespmem:s26+$0xA510]  }
.Ltmp1:
0x70: {  	[tilespmem:s26+$0x12490] =	vst v0;
	v0 =	vld [tilespmem:s26+$0xA520];
	(pc) =	sbr.rel @p0 .LBB2_4-.Ltmp1, $4  }
0x71: {  	[tilespmem:s26+$0x124A0] =	vst v1;
	v1 =	vld [tilespmem:s26+$0xA530]  }
0x72: {  	[tilespmem:s26+$0x124B0] =	vst v2;
	v2 =	vld [tilespmem:s26+$0xA580]  }
0x73: {  	[tilespmem:s26+$0x12500] =	vst v3;
	v3 =	vld [tilespmem:s26+$0xA590]  }
0x74: {  	s28 =	sshra.s32 s29, $0x2;
	s29 =	sadd.s32 $0x800, s29;
	[tilespmem:s26+$0x12510] =	vst v4;
	v4 =	vld [tilespmem:s26+$0xA5A0]  }
0x75: {  	v5 =	vld [tilespmem:s28+$0xA5B0];
	[tilespmem:s26+$0x12520] =	vst v0  }
0x76: {  	v0 =	vld [tilespmem:s28+$0xA400];
	[tilespmem:s26+$0x12530] =	vst v1  }
0x77: {  	v1 =	vld [tilespmem:s28+$0xA410];
	[tilespmem:s26+$0x12580] =	vst v2  }
0x78: {  	v2 =	vld [tilespmem:s28+$0xA420];
	[tilespmem:s26+$0x12590] =	vst v3  }
0x79: {  	v3 =	vld [tilespmem:s28+$0xA430];
	[tilespmem:s26+$0x125A0] =	vst v4  }
0x7a: {  	v4 =	vld [tilespmem:s28+$0xA480];
	[tilespmem:s28+$0x125B0] =	vst v5  }
0x7b: {  	v54 =	vld [tilespmem:s28+$0xA490];
	[tilespmem:s28+$0x12400] =	vst v0  }
0x7c: {  	v55 =	vld [tilespmem:s28+$0xA4A0];
	[tilespmem:s28+$0x12410] =	vst v1  }
0x7d: {  	v56 =	vld [tilespmem:s28+$0xA4B0];
	[tilespmem:s28+$0x12420] =	vst v2  }
0x7e: {  	v57 =	vld [tilespmem:s28+$0xA500];
	[tilespmem:s28+$0x12430] =	vst v3  }
0x7f: {  	v58 =	vld [tilespmem:s28+$0xA510];
	[tilespmem:s28+$0x12480] =	vst v4  }
0x80: {  	v59 =	vld [tilespmem:s28+$0xA520];
	[tilespmem:s28+$0x12490] =	vst v54  }
0x81: {  	v60 =	vld [tilespmem:s28+$0xA530];
	[tilespmem:s28+$0x124A0] =	vst v55  }
0x82: {  	v61 =	vld [tilespmem:s28+$0xA580];
	[tilespmem:s28+$0x124B0] =	vst v56  }
0x83: {  	v62 =	vld [tilespmem:s28+$0xA590];
	[tilespmem:s28+$0x12500] =	vst v57  }
0x84: {  	v63 =	vld [tilespmem:s28+$0xA5A0];
	[tilespmem:s28+$0x12510] =	vst v58  }
0x85: {  	[tilespmem:s28+$0x12520] =	vst v59  }
0x86: {  	[tilespmem:s28+$0x12530] =	vst v60  }
0x87: {  	[tilespmem:s28+$0x12580] =	vst v61  }
0x88: {  	[tilespmem:s28+$0x12590] =	vst v62  }
0x89: {  	s26 =	simm.s32 $0x0;
	[tilespmem:s28+$0x125A0] =	vst v63  }
0x8a: {  	[hbm4b:s7+s26] =	stream.linear.scatter [tilespmem:s21], [sflag:$0x4], $0x4000, $0x38;
	[tilespmem:$0x16400] =	vst v63  }
0x8b: {  	_ = 	snop  }
0x8c: {  	[tilespmem:s16], [sflag:$0x2] =	stream.indirect.gather [hbm4b:s3+s14], $0x80, s22, s14, $0xb8;
	[tilespmem:$0x16400] =	vst v63  }
.LBB2_6:
0x8d: {  	_ =	swait.ge [sflag:s17], $0x4000  }
0x8e: {  	[sflag:s17] =	ssyncset.done $0x0  }
0x8f: {  	[sflag:s17] =	ssyncadd.s32 $0xFFFFC000  }
0x90: {  	_ =	swait.ge [sflag:s23], $0x4000  }
0x91: {  	[sflag:s23] =	ssyncset.done $0x0  }
0x92: {  	s28 =	simm.s32 $0x0;
	[sflag:s23] =	ssyncadd.s32 $0xFFFFC000  }
0x93: {  	v0 =	vld [tilespmem:s28+$0x65B0]  }
0x94: {  	v1 =	vld [tilespmem:s28+$0x6400]  }
0x95: {  	v2 =	vld [tilespmem:s28+$0x6410]  }
0x96: {  	v3 =	vld [tilespmem:s28+$0x6420]  }
0x97: {  	v4 =	vld [tilespmem:s28+$0x6430]  }
0x98: {  	v5 =	vld [tilespmem:s28+$0x6480];
	[tilespmem:s28+$0xE5B0] =	vst v0  }
0x99: {  	[tilespmem:s28+$0xE400] =	vst v1;
	v0 =	vld [tilespmem:s28+$0x6490]  }
0x9a: {  	[tilespmem:s28+$0xE410] =	vst v2;
	v1 =	vld [tilespmem:s28+$0x64A0]  }
0x9b: {  	[tilespmem:s28+$0xE420] =	vst v3;
	v2 =	vld [tilespmem:s28+$0x64B0]  }
0x9c: {  	[tilespmem:s28+$0xE430] =	vst v4;
	v3 =	vld [tilespmem:s28+$0x6500]  }
0x9d: {  	[tilespmem:s28+$0xE480] =	vst v5;
	v4 =	vld [tilespmem:s28+$0x6510]  }
0x9e: {  	[tilespmem:s28+$0xE490] =	vst v0;
	v0 =	vld [tilespmem:s28+$0x6520]  }
0x9f: {  	[tilespmem:s28+$0xE4A0] =	vst v1;
	v1 =	vld [tilespmem:s28+$0x6530]  }
0xa0: {  	[tilespmem:s28+$0xE4B0] =	vst v2;
	v2 =	vld [tilespmem:s28+$0x6580]  }
0xa1: {  	[tilespmem:s28+$0xE500] =	vst v3;
	v3 =	vld [tilespmem:s28+$0x6590]  }
0xa2: {  	s29 =	simm.s32 $0x200;
	s30 =	simm.s32 $0x1000;
	[tilespmem:s28+$0xE510] =	vst v4;
	v4 =	vld [tilespmem:s28+$0x65A0]  }
.LBB2_7:
0xa3: {  	p0 =	sne.s32 s30, $0xF800;
	v5 =	vld [tilespmem:s29+$0x65B0];
	[tilespmem:s28+$0xE520] =	vst v0  }
0xa4: {  	v0 =	vld [tilespmem:s29+$0x6400];
	[tilespmem:s28+$0xE530] =	vst v1  }
0xa5: {  	v1 =	vld [tilespmem:s29+$0x6410];
	[tilespmem:s28+$0xE580] =	vst v2  }
0xa6: {  	v2 =	vld [tilespmem:s29+$0x6420];
	[tilespmem:s28+$0xE590] =	vst v3  }
0xa7: {  	v3 =	vld [tilespmem:s29+$0x6430];
	[tilespmem:s28+$0xE5A0] =	vst v4;
	s28 =	smov.u32 s29  }
0xa8: {  	v4 =	vld [tilespmem:s28+$0x6480];
	[tilespmem:s28+$0xE5B0] =	vst v5  }
0xa9: {  	[tilespmem:s28+$0xE400] =	vst v0;
	v0 =	vld [tilespmem:s28+$0x6490]  }
0xaa: {  	[tilespmem:s28+$0xE410] =	vst v1;
	v1 =	vld [tilespmem:s28+$0x64A0]  }
0xab: {  	[tilespmem:s28+$0xE420] =	vst v2;
	v2 =	vld [tilespmem:s28+$0x64B0]  }
0xac: {  	[tilespmem:s28+$0xE430] =	vst v3;
	v3 =	vld [tilespmem:s28+$0x6500]  }
0xad: {  	[tilespmem:s28+$0xE480] =	vst v4;
	v4 =	vld [tilespmem:s28+$0x6510]  }
.Ltmp2:
0xae: {  	[tilespmem:s28+$0xE490] =	vst v0;
	v0 =	vld [tilespmem:s28+$0x6520];
	(pc) =	sbr.rel @p0 .LBB2_7-.Ltmp2, $4  }
0xaf: {  	[tilespmem:s28+$0xE4A0] =	vst v1;
	v1 =	vld [tilespmem:s28+$0x6530]  }
0xb0: {  	[tilespmem:s28+$0xE4B0] =	vst v2;
	v2 =	vld [tilespmem:s28+$0x6580]  }
0xb1: {  	[tilespmem:s28+$0xE500] =	vst v3;
	v3 =	vld [tilespmem:s28+$0x6590]  }
0xb2: {  	s29 =	sshra.s32 s30, $0x2;
	s30 =	sadd.s32 $0x800, s30;
	[tilespmem:s28+$0xE510] =	vst v4;
	v4 =	vld [tilespmem:s28+$0x65A0]  }
0xb3: {  	v5 =	vld [tilespmem:s29+$0x65B0];
	[tilespmem:s28+$0xE520] =	vst v0  }
0xb4: {  	v0 =	vld [tilespmem:s29+$0x6400];
	[tilespmem:s28+$0xE530] =	vst v1  }
0xb5: {  	v1 =	vld [tilespmem:s29+$0x6410];
	[tilespmem:s28+$0xE580] =	vst v2  }
0xb6: {  	v2 =	vld [tilespmem:s29+$0x6420];
	[tilespmem:s28+$0xE590] =	vst v3  }
0xb7: {  	v3 =	vld [tilespmem:s29+$0x6430];
	[tilespmem:s28+$0xE5A0] =	vst v4  }
0xb8: {  	v4 =	vld [tilespmem:s29+$0x6480];
	[tilespmem:s29+$0xE5B0] =	vst v5  }
0xb9: {  	[tilespmem:s29+$0xE400] =	vst v0;
	v0 =	vld [tilespmem:s29+$0x6490]  }
0xba: {  	[tilespmem:s29+$0xE410] =	vst v1;
	v1 =	vld [tilespmem:s29+$0x64A0]  }
0xbb: {  	[tilespmem:s29+$0xE420] =	vst v2;
	v2 =	vld [tilespmem:s29+$0x64B0]  }
0xbc: {  	[tilespmem:s29+$0xE430] =	vst v3;
	v3 =	vld [tilespmem:s29+$0x6500]  }
0xbd: {  	[tilespmem:s29+$0xE480] =	vst v4;
	v4 =	vld [tilespmem:s29+$0x6510]  }
0xbe: {  	[tilespmem:s29+$0xE490] =	vst v0;
	v0 =	vld [tilespmem:s29+$0x6520]  }
0xbf: {  	[tilespmem:s29+$0xE4A0] =	vst v1;
	v1 =	vld [tilespmem:s29+$0x6530]  }
0xc0: {  	[tilespmem:s29+$0xE4B0] =	vst v2;
	v2 =	vld [tilespmem:s29+$0x6580]  }
0xc1: {  	[tilespmem:s29+$0xE500] =	vst v3;
	v3 =	vld [tilespmem:s29+$0x6590]  }
0xc2: {  	[tilespmem:s29+$0xE510] =	vst v4;
	v4 =	vld [tilespmem:s29+$0x65A0]  }
0xc3: {  	[tilespmem:s29+$0xE520] =	vst v0  }
0xc4: {  	s28 =	sshll.u32 s26, $0x8;
	[tilespmem:s29+$0xE530] =	vst v1  }
0xc5: {  	s1 =	sadd.s32 s28, s8;
	[tilespmem:s29+$0xE580] =	vst v2  }
0xc6: {  	s1 =	sshll.u32 s1, $0x4;
	[tilespmem:s29+$0xE590] =	vst v3  }
0xc7: {  	s1 =	sadd.s32 s4, s1;
	[tilespmem:s29+$0xE5A0] =	vst v4;
	s29 =	simm.s32 $0x0  }
0xc8: {  	[hbm4b:s1+s29] =	stream.linear.scatter [tilespmem:s18], [sflag:$0x3], $0x4000, $0x38;
	[tilespmem:$0x16400] =	vst v63  }
0xc9: {  	s29 =	sand.u32 $0x3FFFFF00, s28  }
0xca: {  	s1 =	sadd.s32 $0x200, s29  }
0xcb: {  	[tilespmem:s15], [sflag:$0x1] =	stream.indirect.gather [hbm4b:s3+s14], $0x80, s1, s14, $0xb8;
	[tilespmem:$0x16400] =	vst v63  }
0xcc: {  	_ =	swait.ge [sflag:s20], $0x4000  }
0xcd: {  	[sflag:s20] =	ssyncset.done $0x0  }
0xce: {  	[sflag:s20] =	ssyncadd.s32 $0xFFFFC000  }
0xcf: {  	_ =	swait.ge [sflag:s24], $0x4000  }
0xd0: {  	[sflag:s24] =	ssyncset.done $0x0  }
0xd1: {  	s30 =	simm.s32 $0x0;
	[sflag:s24] =	ssyncadd.s32 $0xFFFFC000  }
0xd2: {  	v0 =	vld [tilespmem:s30+$0xA5B0]  }
0xd3: {  	v1 =	vld [tilespmem:s30+$0xA400]  }
0xd4: {  	v2 =	vld [tilespmem:s30+$0xA410]  }
0xd5: {  	v3 =	vld [tilespmem:s30+$0xA420]  }
0xd6: {  	v4 =	vld [tilespmem:s30+$0xA430]  }
0xd7: {  	v5 =	vld [tilespmem:s30+$0xA480];
	[tilespmem:s30+$0x125B0] =	vst v0  }
0xd8: {  	[tilespmem:s30+$0x12400] =	vst v1;
	v0 =	vld [tilespmem:s30+$0xA490]  }
0xd9: {  	[tilespmem:s30+$0x12410] =	vst v2;
	v1 =	vld [tilespmem:s30+$0xA4A0]  }
0xda: {  	[tilespmem:s30+$0x12420] =	vst v3;
	v2 =	vld [tilespmem:s30+$0xA4B0]  }
0xdb: {  	[tilespmem:s30+$0x12430] =	vst v4;
	v3 =	vld [tilespmem:s30+$0xA500]  }
0xdc: {  	[tilespmem:s30+$0x12480] =	vst v5;
	v4 =	vld [tilespmem:s30+$0xA510]  }
0xdd: {  	[tilespmem:s30+$0x12490] =	vst v0;
	v0 =	vld [tilespmem:s30+$0xA520]  }
0xde: {  	[tilespmem:s30+$0x124A0] =	vst v1;
	v1 =	vld [tilespmem:s30+$0xA530]  }
0xdf: {  	[tilespmem:s30+$0x124B0] =	vst v2;
	v2 =	vld [tilespmem:s30+$0xA580]  }
0xe0: {  	[tilespmem:s30+$0x12500] =	vst v3;
	v3 =	vld [tilespmem:s30+$0xA590]  }
0xe1: {  	s31 =	simm.s32 $0x200;
	s1 =	simm.s32 $0x1000;
	[tilespmem:s30+$0x12510] =	vst v4;
	v4 =	vld [tilespmem:s30+$0xA5A0]  }
.LBB2_9:
0xe2: {  	p0 =	sne.s32 s1, $0xF800;
	v5 =	vld [tilespmem:s31+$0xA5B0];
	[tilespmem:s30+$0x12520] =	vst v0  }
0xe3: {  	v0 =	vld [tilespmem:s31+$0xA400];
	[tilespmem:s30+$0x12530] =	vst v1  }
0xe4: {  	v1 =	vld [tilespmem:s31+$0xA410];
	[tilespmem:s30+$0x12580] =	vst v2  }
0xe5: {  	v2 =	vld [tilespmem:s31+$0xA420];
	[tilespmem:s30+$0x12590] =	vst v3  }
0xe6: {  	v3 =	vld [tilespmem:s31+$0xA430];
	[tilespmem:s30+$0x125A0] =	vst v4;
	s30 =	smov.u32 s31  }
0xe7: {  	v4 =	vld [tilespmem:s30+$0xA480];
	[tilespmem:s30+$0x125B0] =	vst v5  }
0xe8: {  	[tilespmem:s30+$0x12400] =	vst v0;
	v0 =	vld [tilespmem:s30+$0xA490]  }
0xe9: {  	[tilespmem:s30+$0x12410] =	vst v1;
	v1 =	vld [tilespmem:s30+$0xA4A0]  }
0xea: {  	[tilespmem:s30+$0x12420] =	vst v2;
	v2 =	vld [tilespmem:s30+$0xA4B0]  }
0xeb: {  	[tilespmem:s30+$0x12430] =	vst v3;
	v3 =	vld [tilespmem:s30+$0xA500]  }
0xec: {  	[tilespmem:s30+$0x12480] =	vst v4;
	v4 =	vld [tilespmem:s30+$0xA510]  }
.Ltmp3:
0xed: {  	[tilespmem:s30+$0x12490] =	vst v0;
	v0 =	vld [tilespmem:s30+$0xA520];
	(pc) =	sbr.rel @p0 .LBB2_9-.Ltmp3, $4  }
0xee: {  	[tilespmem:s30+$0x124A0] =	vst v1;
	v1 =	vld [tilespmem:s30+$0xA530]  }
0xef: {  	[tilespmem:s30+$0x124B0] =	vst v2;
	v2 =	vld [tilespmem:s30+$0xA580]  }
0xf0: {  	[tilespmem:s30+$0x12500] =	vst v3;
	v3 =	vld [tilespmem:s30+$0xA590]  }
0xf1: {  	s31 =	sshra.s32 s1, $0x2;
	s1 =	sadd.s32 $0x800, s1;
	[tilespmem:s30+$0x12510] =	vst v4;
	v4 =	vld [tilespmem:s30+$0xA5A0]  }
0xf2: {  	v5 =	vld [tilespmem:s31+$0xA5B0];
	[tilespmem:s30+$0x12520] =	vst v0  }
0xf3: {  	v0 =	vld [tilespmem:s31+$0xA400];
	[tilespmem:s30+$0x12530] =	vst v1  }
0xf4: {  	v1 =	vld [tilespmem:s31+$0xA410];
	[tilespmem:s30+$0x12580] =	vst v2  }
0xf5: {  	v2 =	vld [tilespmem:s31+$0xA420];
	[tilespmem:s30+$0x12590] =	vst v3  }
0xf6: {  	v3 =	vld [tilespmem:s31+$0xA430];
	[tilespmem:s30+$0x125A0] =	vst v4  }
0xf7: {  	v4 =	vld [tilespmem:s31+$0xA480];
	[tilespmem:s31+$0x125B0] =	vst v5  }
0xf8: {  	v54 =	vld [tilespmem:s31+$0xA490];
	[tilespmem:s31+$0x12400] =	vst v0  }
0xf9: {  	v55 =	vld [tilespmem:s31+$0xA4A0];
	[tilespmem:s31+$0x12410] =	vst v1  }
0xfa: {  	v56 =	vld [tilespmem:s31+$0xA4B0];
	[tilespmem:s31+$0x12420] =	vst v2  }
0xfb: {  	v57 =	vld [tilespmem:s31+$0xA500];
	[tilespmem:s31+$0x12430] =	vst v3  }
0xfc: {  	v58 =	vld [tilespmem:s31+$0xA510];
	[tilespmem:s31+$0x12480] =	vst v4  }
0xfd: {  	v59 =	vld [tilespmem:s31+$0xA520];
	[tilespmem:s31+$0x12490] =	vst v54  }
0xfe: {  	v60 =	vld [tilespmem:s31+$0xA530];
	[tilespmem:s31+$0x124A0] =	vst v55  }
0xff: {  	v61 =	vld [tilespmem:s31+$0xA580];
	[tilespmem:s31+$0x124B0] =	vst v56  }
0x100: {  	v62 =	vld [tilespmem:s31+$0xA590];
	[tilespmem:s31+$0x12500] =	vst v57  }
0x101: {  	v63 =	vld [tilespmem:s31+$0xA5A0];
	[tilespmem:s31+$0x12510] =	vst v58  }
0x102: {  	[tilespmem:s31+$0x12520] =	vst v59  }
0x103: {  	s26 =	sadd.s32 $0x1, s26;
	[tilespmem:s31+$0x12530] =	vst v60  }
0x104: {  	s1 =	sadd.s32 s28, s9;
	p0 =	sne.s32 s26, $0x62;
	[tilespmem:s31+$0x12580] =	vst v61  }
.Ltmp4:
0x105: {  	s1 =	sshll.u32 s1, $0x4;
	[tilespmem:s31+$0x12590] =	vst v62;
	(pc) =	sbr.rel @p0 .LBB2_6-.Ltmp4, $4  }
0x106: {  	s1 =	sadd.s32 s4, s1;
	[tilespmem:s31+$0x125A0] =	vst v63  }
0x107: {  	[hbm4b:s1+s2] =	stream.linear.scatter [tilespmem:s21], [sflag:$0x4], $0x4000, $0x38;
	[tilespmem:$0x16400] =	vst v63  }
0x108: {  	s31 =	sadd.s32 $0x280, s29  }
0x109: {  	[tilespmem:s16], [sflag:$0x2] =	stream.indirect.gather [hbm4b:s3+s14], $0x80, s31, s14, $0xb8;
	[tilespmem:$0x16400] =	vst v63  }
0x10a: {  	_ =	swait.ge [sflag:s17], $0x4000  }
0x10b: {  	[sflag:s17] =	ssyncset.done $0x0  }
0x10c: {  	[sflag:s17] =	ssyncadd.s32 $0xFFFFC000  }
0x10d: {  	_ =	swait.ge [sflag:s23], $0x4000  }
0x10e: {  	[sflag:s23] =	ssyncset.done $0x0  }
0x10f: {  	s26 =	simm.s32 $0x0;
	[sflag:s23] =	ssyncadd.s32 $0xFFFFC000  }
0x110: {  	v0 =	vld [tilespmem:s26+$0x65B0]  }
0x111: {  	v1 =	vld [tilespmem:s26+$0x6400]  }
0x112: {  	v2 =	vld [tilespmem:s26+$0x6410]  }
0x113: {  	v3 =	vld [tilespmem:s26+$0x6420]  }
0x114: {  	v4 =	vld [tilespmem:s26+$0x6430]  }
0x115: {  	v5 =	vld [tilespmem:s26+$0x6480];
	[tilespmem:s26+$0xE5B0] =	vst v0  }
0x116: {  	[tilespmem:s26+$0xE400] =	vst v1;
	v0 =	vld [tilespmem:s26+$0x6490]  }
0x117: {  	[tilespmem:s26+$0xE410] =	vst v2;
	v1 =	vld [tilespmem:s26+$0x64A0]  }
0x118: {  	[tilespmem:s26+$0xE420] =	vst v3;
	v2 =	vld [tilespmem:s26+$0x64B0]  }
0x119: {  	[tilespmem:s26+$0xE430] =	vst v4;
	v3 =	vld [tilespmem:s26+$0x6500]  }
0x11a: {  	[tilespmem:s26+$0xE480] =	vst v5;
	v4 =	vld [tilespmem:s26+$0x6510]  }
0x11b: {  	[tilespmem:s26+$0xE490] =	vst v0;
	v0 =	vld [tilespmem:s26+$0x6520]  }
0x11c: {  	[tilespmem:s26+$0xE4A0] =	vst v1;
	v1 =	vld [tilespmem:s26+$0x6530]  }
0x11d: {  	[tilespmem:s26+$0xE4B0] =	vst v2;
	v2 =	vld [tilespmem:s26+$0x6580]  }
0x11e: {  	[tilespmem:s26+$0xE500] =	vst v3;
	v3 =	vld [tilespmem:s26+$0x6590]  }
0x11f: {  	s28 =	simm.s32 $0x200;
	s1 =	simm.s32 $0x1000;
	[tilespmem:s26+$0xE510] =	vst v4;
	v4 =	vld [tilespmem:s26+$0x65A0]  }
.LBB2_12:
0x120: {  	p0 =	sne.s32 s1, $0xF800;
	v5 =	vld [tilespmem:s28+$0x65B0];
	[tilespmem:s26+$0xE520] =	vst v0  }
0x121: {  	v0 =	vld [tilespmem:s28+$0x6400];
	[tilespmem:s26+$0xE530] =	vst v1  }
0x122: {  	v1 =	vld [tilespmem:s28+$0x6410];
	[tilespmem:s26+$0xE580] =	vst v2  }
0x123: {  	v2 =	vld [tilespmem:s28+$0x6420];
	[tilespmem:s26+$0xE590] =	vst v3  }
0x124: {  	v3 =	vld [tilespmem:s28+$0x6430];
	[tilespmem:s26+$0xE5A0] =	vst v4;
	s26 =	smov.u32 s28  }
0x125: {  	v4 =	vld [tilespmem:s26+$0x6480];
	[tilespmem:s26+$0xE5B0] =	vst v5  }
0x126: {  	[tilespmem:s26+$0xE400] =	vst v0;
	v0 =	vld [tilespmem:s26+$0x6490]  }
0x127: {  	[tilespmem:s26+$0xE410] =	vst v1;
	v1 =	vld [tilespmem:s26+$0x64A0]  }
0x128: {  	[tilespmem:s26+$0xE420] =	vst v2;
	v2 =	vld [tilespmem:s26+$0x64B0]  }
0x129: {  	[tilespmem:s26+$0xE430] =	vst v3;
	v3 =	vld [tilespmem:s26+$0x6500]  }
0x12a: {  	[tilespmem:s26+$0xE480] =	vst v4;
	v4 =	vld [tilespmem:s26+$0x6510]  }
.Ltmp5:
0x12b: {  	[tilespmem:s26+$0xE490] =	vst v0;
	v0 =	vld [tilespmem:s26+$0x6520];
	(pc) =	sbr.rel @p0 .LBB2_12-.Ltmp5, $4  }
0x12c: {  	[tilespmem:s26+$0xE4A0] =	vst v1;
	v1 =	vld [tilespmem:s26+$0x6530]  }
0x12d: {  	[tilespmem:s26+$0xE4B0] =	vst v2;
	v2 =	vld [tilespmem:s26+$0x6580]  }
0x12e: {  	[tilespmem:s26+$0xE500] =	vst v3;
	v3 =	vld [tilespmem:s26+$0x6590]  }
0x12f: {  	s28 =	sshra.s32 s1, $0x2;
	s1 =	sadd.s32 $0x800, s1;
	[tilespmem:s26+$0xE510] =	vst v4;
	v4 =	vld [tilespmem:s26+$0x65A0]  }
0x130: {  	v5 =	vld [tilespmem:s28+$0x65B0];
	[tilespmem:s26+$0xE520] =	vst v0  }
0x131: {  	v0 =	vld [tilespmem:s28+$0x6400];
	[tilespmem:s26+$0xE530] =	vst v1  }
0x132: {  	v1 =	vld [tilespmem:s28+$0x6410];
	[tilespmem:s26+$0xE580] =	vst v2  }
0x133: {  	v2 =	vld [tilespmem:s28+$0x6420];
	[tilespmem:s26+$0xE590] =	vst v3  }
0x134: {  	v3 =	vld [tilespmem:s28+$0x6430];
	[tilespmem:s26+$0xE5A0] =	vst v4  }
0x135: {  	v4 =	vld [tilespmem:s28+$0x6480];
	[tilespmem:s28+$0xE5B0] =	vst v5  }
0x136: {  	[tilespmem:s28+$0xE400] =	vst v0;
	v0 =	vld [tilespmem:s28+$0x6490]  }
0x137: {  	[tilespmem:s28+$0xE410] =	vst v1;
	v1 =	vld [tilespmem:s28+$0x64A0]  }
0x138: {  	[tilespmem:s28+$0xE420] =	vst v2;
	v2 =	vld [tilespmem:s28+$0x64B0]  }
0x139: {  	[tilespmem:s28+$0xE430] =	vst v3;
	v3 =	vld [tilespmem:s28+$0x6500]  }
0x13a: {  	[tilespmem:s28+$0xE480] =	vst v4;
	v4 =	vld [tilespmem:s28+$0x6510]  }
0x13b: {  	[tilespmem:s28+$0xE490] =	vst v0;
	v0 =	vld [tilespmem:s28+$0x6520]  }
0x13c: {  	[tilespmem:s28+$0xE4A0] =	vst v1;
	v1 =	vld [tilespmem:s28+$0x6530]  }
0x13d: {  	[tilespmem:s28+$0xE4B0] =	vst v2;
	v2 =	vld [tilespmem:s28+$0x6580]  }
0x13e: {  	[tilespmem:s28+$0xE500] =	vst v3;
	v3 =	vld [tilespmem:s28+$0x6590]  }
0x13f: {  	[tilespmem:s28+$0xE510] =	vst v4;
	v4 =	vld [tilespmem:s28+$0x65A0]  }
0x140: {  	[tilespmem:s28+$0xE520] =	vst v0  }
0x141: {  	[tilespmem:s28+$0xE530] =	vst v1  }
0x142: {  	[tilespmem:s28+$0xE580] =	vst v2  }
0x143: {  	[tilespmem:s28+$0xE590] =	vst v3  }
0x144: {  	s1 =	simm.s32 $0x0;
	[tilespmem:s28+$0xE5A0] =	vst v4  }
0x145: {  	[hbm4b:s10+s1] =	stream.linear.scatter [tilespmem:s18], [sflag:$0x3], $0x4000, $0x38;
	[tilespmem:$0x16400] =	vst v63  }
0x146: {  	_ =	swait.ge [sflag:s20], $0x4000  }
0x147: {  	[sflag:s20] =	ssyncset.done $0x0  }
0x148: {  	[sflag:s20] =	ssyncadd.s32 $0xFFFFC000  }
0x149: {  	_ =	swait.ge [sflag:s24], $0x4000  }
0x14a: {  	[sflag:s24] =	ssyncset.done $0x0  }
0x14b: {  	s26 =	simm.s32 $0x0;
	[sflag:s24] =	ssyncadd.s32 $0xFFFFC000  }
0x14c: {  	v0 =	vld [tilespmem:s26+$0xA5B0]  }
0x14d: {  	v1 =	vld [tilespmem:s26+$0xA400]  }
0x14e: {  	v2 =	vld [tilespmem:s26+$0xA410]  }
0x14f: {  	v3 =	vld [tilespmem:s26+$0xA420]  }
0x150: {  	v4 =	vld [tilespmem:s26+$0xA430]  }
0x151: {  	v5 =	vld [tilespmem:s26+$0xA480];
	[tilespmem:s26+$0x125B0] =	vst v0  }
0x152: {  	[tilespmem:s26+$0x12400] =	vst v1;
	v0 =	vld [tilespmem:s26+$0xA490]  }
0x153: {  	[tilespmem:s26+$0x12410] =	vst v2;
	v1 =	vld [tilespmem:s26+$0xA4A0]  }
0x154: {  	[tilespmem:s26+$0x12420] =	vst v3;
	v2 =	vld [tilespmem:s26+$0xA4B0]  }
0x155: {  	[tilespmem:s26+$0x12430] =	vst v4;
	v3 =	vld [tilespmem:s26+$0xA500]  }
0x156: {  	[tilespmem:s26+$0x12480] =	vst v5;
	v4 =	vld [tilespmem:s26+$0xA510]  }
0x157: {  	[tilespmem:s26+$0x12490] =	vst v0;
	v0 =	vld [tilespmem:s26+$0xA520]  }
0x158: {  	[tilespmem:s26+$0x124A0] =	vst v1;
	v1 =	vld [tilespmem:s26+$0xA530]  }
0x159: {  	[tilespmem:s26+$0x124B0] =	vst v2;
	v2 =	vld [tilespmem:s26+$0xA580]  }
0x15a: {  	[tilespmem:s26+$0x12500] =	vst v3;
	v3 =	vld [tilespmem:s26+$0xA590]  }
0x15b: {  	s28 =	simm.s32 $0x200;
	s1 =	simm.s32 $0x1000;
	[tilespmem:s26+$0x12510] =	vst v4;
	v4 =	vld [tilespmem:s26+$0xA5A0]  }
.LBB2_14:
0x15c: {  	p0 =	sne.s32 s1, $0xF800;
	v5 =	vld [tilespmem:s28+$0xA5B0];
	[tilespmem:s26+$0x12520] =	vst v0  }
0x15d: {  	v0 =	vld [tilespmem:s28+$0xA400];
	[tilespmem:s26+$0x12530] =	vst v1  }
0x15e: {  	v1 =	vld [tilespmem:s28+$0xA410];
	[tilespmem:s26+$0x12580] =	vst v2  }
0x15f: {  	v2 =	vld [tilespmem:s28+$0xA420];
	[tilespmem:s26+$0x12590] =	vst v3  }
0x160: {  	v3 =	vld [tilespmem:s28+$0xA430];
	[tilespmem:s26+$0x125A0] =	vst v4;
	s26 =	smov.u32 s28  }
0x161: {  	v4 =	vld [tilespmem:s26+$0xA480];
	[tilespmem:s26+$0x125B0] =	vst v5  }
0x162: {  	[tilespmem:s26+$0x12400] =	vst v0;
	v0 =	vld [tilespmem:s26+$0xA490]  }
0x163: {  	[tilespmem:s26+$0x12410] =	vst v1;
	v1 =	vld [tilespmem:s26+$0xA4A0]  }
0x164: {  	[tilespmem:s26+$0x12420] =	vst v2;
	v2 =	vld [tilespmem:s26+$0xA4B0]  }
0x165: {  	[tilespmem:s26+$0x12430] =	vst v3;
	v3 =	vld [tilespmem:s26+$0xA500]  }
0x166: {  	[tilespmem:s26+$0x12480] =	vst v4;
	v4 =	vld [tilespmem:s26+$0xA510]  }
.Ltmp6:
0x167: {  	[tilespmem:s26+$0x12490] =	vst v0;
	v0 =	vld [tilespmem:s26+$0xA520];
	(pc) =	sbr.rel @p0 .LBB2_14-.Ltmp6, $4  }
0x168: {  	[tilespmem:s26+$0x124A0] =	vst v1;
	v1 =	vld [tilespmem:s26+$0xA530]  }
0x169: {  	[tilespmem:s26+$0x124B0] =	vst v2;
	v2 =	vld [tilespmem:s26+$0xA580]  }
0x16a: {  	[tilespmem:s26+$0x12500] =	vst v3;
	v3 =	vld [tilespmem:s26+$0xA590]  }
0x16b: {  	s28 =	sshra.s32 s1, $0x2;
	s1 =	sadd.s32 $0x800, s1;
	[tilespmem:s26+$0x12510] =	vst v4;
	v4 =	vld [tilespmem:s26+$0xA5A0]  }
0x16c: {  	v5 =	vld [tilespmem:s28+$0xA5B0];
	[tilespmem:s26+$0x12520] =	vst v0  }
0x16d: {  	v0 =	vld [tilespmem:s28+$0xA400];
	[tilespmem:s26+$0x12530] =	vst v1  }
0x16e: {  	v1 =	vld [tilespmem:s28+$0xA410];
	[tilespmem:s26+$0x12580] =	vst v2  }
0x16f: {  	v2 =	vld [tilespmem:s28+$0xA420];
	[tilespmem:s26+$0x12590] =	vst v3  }
0x170: {  	v3 =	vld [tilespmem:s28+$0xA430];
	[tilespmem:s26+$0x125A0] =	vst v4  }
0x171: {  	v4 =	vld [tilespmem:s28+$0xA480];
	[tilespmem:s28+$0x125B0] =	vst v5  }
0x172: {  	v54 =	vld [tilespmem:s28+$0xA490];
	[tilespmem:s28+$0x12400] =	vst v0  }
0x173: {  	v55 =	vld [tilespmem:s28+$0xA4A0];
	[tilespmem:s28+$0x12410] =	vst v1  }
0x174: {  	v56 =	vld [tilespmem:s28+$0xA4B0];
	[tilespmem:s28+$0x12420] =	vst v2  }
0x175: {  	v57 =	vld [tilespmem:s28+$0xA500];
	[tilespmem:s28+$0x12430] =	vst v3  }
0x176: {  	v58 =	vld [tilespmem:s28+$0xA510];
	[tilespmem:s28+$0x12480] =	vst v4  }
0x177: {  	v59 =	vld [tilespmem:s28+$0xA520];
	[tilespmem:s28+$0x12490] =	vst v54  }
0x178: {  	v60 =	vld [tilespmem:s28+$0xA530];
	[tilespmem:s28+$0x124A0] =	vst v55  }
0x179: {  	v61 =	vld [tilespmem:s28+$0xA580];
	[tilespmem:s28+$0x124B0] =	vst v56  }
0x17a: {  	v62 =	vld [tilespmem:s28+$0xA590];
	[tilespmem:s28+$0x12500] =	vst v57  }
0x17b: {  	v63 =	vld [tilespmem:s28+$0xA5A0];
	[tilespmem:s28+$0x12510] =	vst v58  }
0x17c: {  	[tilespmem:s28+$0x12520] =	vst v59  }
0x17d: {  	[tilespmem:s28+$0x12530] =	vst v60  }
0x17e: {  	[tilespmem:s28+$0x12580] =	vst v61  }
0x17f: {  	[tilespmem:s28+$0x12590] =	vst v62  }
0x180: {  	s25 =	sadd.s32 $0x1, s25;
	[tilespmem:s28+$0x125A0] =	vst v63  }
0x181: {  	[hbm4b:s11+s2] =	stream.linear.scatter [tilespmem:s21], [sflag:$0x4], $0x4000, $0x38;
	[tilespmem:$0x16400] =	vst v63  }
0x182: {  	p0 =	sne.s32 s25, s12;
	_ =	swait.ge [sflag:s23], $0x4000  }
.Ltmp7:
0x183: {  	[sflag:s23] =	ssyncset.done $0x0;
	(pc) =	sbr.rel @p0 .LBB2_1-.Ltmp7, $4  }
0x184: {  	[sflag:s23] =	ssyncadd.s32 $0xFFFFC000  }
0x185: {  	_ =	swait.ge [sflag:s24], $0x4000  }
0x186: {  	[sflag:s24] =	ssyncset.done $0x0  }
0x187: {  	[sflag:s24] =	ssyncadd.s32 $0xFFFFC000  }
0x188: {  	_ =	sfence.sel $0x180000  }
0x189: {  	[bflag:$0x0] =	sbarrier.arrive $0xFFFF  }
0x18a: {  	_ =	strace $0x90000047  }
0x18b: {  	[bflag:$0x2] =	sbarrier.arrive $0xFFFF  }
0x18c: {  	p0 =	sne.s32 s0, $0x0;
	s0 =	rddreg [dreg:$0x2]  }
0x18d: {  	s0 =	sadd.s32 @!p0 $0x100000, s0  }
0x18e: {  	[sflag:s0] =	ssyncadd.tile.s32 @!p0 $0x1;
	_ =	shalt  }
.Lfunc_end2:
_tile_overlayer_lowered:
.L_overlay_start_2:
0x18f: {  	(tag) =	ssettag $0x2  }
0x190: {  	s0 =	rddreg [dreg:$0x0];
	s2 =	stileid.u32  }
0x191: {  	s1 =	rddreg [dreg:$0x1];
	p0 =	sne.s32 s2, $0x0  }
0x192: {  	s3 =	rddreg [dreg:$0x2];
	[bflag:$0x3] =	sbarrier.arrive $0xFFFF;
	s2 =	simm.s32 @!p0 $0x1C05  }
0x193: {  	[timem:s3], [sflag:s2] =	dma.local @!p0 [hbm:s0], s1  }
0x194: {  	s0 =	simm.s32 @!p0 $0x5  }
0x195: {  	_ =	swait.ge @!p0 [sflag:s0], s1  }
0x196: {  	s1 =	ssub.s32 @!p0 $0x0, s1;
	[sflag:s0] =	ssyncset.done @!p0 $0x0  }
0x197: {  	[sflag:s0] =	ssyncadd.s32 @!p0 s1  }
0x198: {  	[bflag:$0x3] =	sbarrier.arrive $0xFFFF  }
0x199: {  	_ =	shalt  }

// kernel: sparse-core-data-format-call.cloned.1.call-start
scs
called_computation_lowered:
.L_overlay_start_0:
0x0: {  	s2 =	sld [smem:$0x3FD9]  }
0x1: {  	s3 =	sld [smem:$0x3FFE];
	_ =	sdelay $0x1  }
0x2: {  	s1 =	srdreg.scid  }
0x3: {  	s0 =	sand.u32 $0x1, s1  }
0x4: {  	s18 =	sshll.u32 s0, $0xA;
	s2 =	sadd.s32 s3, s2  }
0x5: {  	s2 =	sadd.s32 s2, s18  }
0x6: {  	[smem:$0x3FC6] =	sst s2  }
0x7: {  	_ = 	snop  }
0x8: {  	s2 =	sld [smem:$0x3FD0];
	(tm) =	ssettm $0x1  }
0x9: {  	s19 =	sld [smem:$0x3FFB];
	_ =	sdelay $0x3  }
0xa: {  	_ =	strace s19  }
0xb: {  	s3 =	sld [smem:$0x3FFC];
	_ =	sdelay $0x3  }
0xc: {  	_ =	strace s3  }
0xd: {  	s3 =	sld [smem:$0x3FFD];
	_ =	sdelay $0x3  }
0xe: {  	_ =	strace s3  }
0xf: {  	_ =	strace $0x8FFFFFFF  }
0x10: {  	s20 =	sld [smem:$0x3FDB];
	_ =	sdelay $0x1  }
0x11: {  	s4 =	simm.s32 $_scs_section_size  }
0x12: {  	s5 =	simm.s32 $_size__tile_overlayer_lowered;
	s6 =	simm.s32 $_tile_overlayer_lowered  }
0x13: {  	s23 =	simm.s32 $0x1BFF;
	s22 =	sshll.u32 s6, $0x1;
	s3 =	sadd.s32 s4, s20  }
0x14: {  	s7 =	simm.s32 $0x0;
	s21 =	sshll.u32 s5, $0x1;
	s5 =	sadd.s32 s22, s3  }
0x15: {  	[timem:s7], [sflag:s23] =	dma.local [hbm:s5], s21  }
0x16: {  	_ =	swait.ge [sflag:s23], s21  }
0x17: {  	s4 =	ssub.s32 $0x0, s21;
	[sflag:s23] =	ssyncset.done $0x0  }
0x18: {  	[sflag:s23] =	ssyncadd.s32 s4;
	_ =	sdelay $0x1  }
0x19: {  	s24 =	simm.s32 $0x1B8B  }
0x1a: {  	_ =	swait.ge [sflag:s24], $0x1  }
0x1b: {  	[sflag:s24] =	ssyncset.done $0x0  }
0x1c: {  	s26 =	simm.s32 $0x1B8E;
	s25 =	sld [smem:$0x3FFE];
	[sflag:s24] =	ssyncadd.s32 $0xFFFFFFFF  }
0x1d: {  	s27 =	simm.s32 $execute0_lowered;
	[smem:$0x3FD2] =	sst s26  }
0x1e: {  	s5 =	sshll.u32 s27, $0x1;
	_ =	strace $0x80000049;
	[dreg:$0x1] =	wrdreg $0xFFFFFFFF  }
0x1f: {  	s28 =	simm.s32 $_size_execute0_lowered;
	s3 =	sadd.s32 s3, s5;
	[dreg:$0x0] =	wrdreg $0x0  }
0x20: {  	s5 =	sshll.u32 s28, $0x1;
	[dreg:$0x2] =	wrdreg s3  }
0x21: {  	[dreg:$0x3] =	wrdreg s5  }
0x22: {  	[dreg:$0x4] =	wrdreg $0xC0  }
0x23: {  	_ =	task [dreg:s7], $0x5FFFF  }
0x24: {  	[dreg:$0x1] =	wrdreg $0xFFFFFFFF  }
0x25: {  	[dreg:$0x0] =	wrdreg $0x60  }
0x26: {  	[dreg:$0x2] =	wrdreg s25  }
0x27: {  	[dreg:$0x3] =	wrdreg s2  }
0x28: {  	[dreg:$0x4] =	wrdreg $0x9  }
0x29: {  	_ =	task.clear_ibuf [dreg:s7], $0x5FFFF;
	_ =	strace $0x90000049  }
0x2a: {  	s29 =	simm.s32 $0x9;
	_ =	strace $0x8000004B  }
0x2b: {  	_ =	swait.ge [sflag:s29], $0x1  }
0x2c: {  	[sflag:s29] =	ssyncadd.s32 $0xFFFFFFFF  }
0x2d: {  	_ =	strace $0x9000004B  }
0x2e: {  	_ =	sfence  }
0x2f: {  	s30 =	sld [smem:$0x0];
	_ =	sdelay $0x2  }
0x30: {  	s31 =	sshll.u32 s1, $0xD;
	s1 =	sshrl.u32 s1, $0x2  }
0x31: {  	s3 =	sand.u32 $0x4000, s31;
	s1 =	sadd.s32 s1, s30  }
0x32: {  	s0 =	sor.u32 s3, s0;
	s1 =	sshll.u32 s1, $0x11  }
0x33: {  	s0 =	sor.u32 s1, s0  }
0x34: {  	s0 =	sadd.s32 $0x8F2B, s0  }
0x35: {  	[sflag:s0] =	ssyncadd.remote.s32 $0x1  }
0x36: {  	_ =	sfence.sel $0xFFFF  }
0x37: {  	[dreg:$0x0] =	wrdreg $0xFFFFFFFF;
	(pc) =	sbr.abs _section_cstart, $3  }
0x38: {  	[dreg:$0x1] =	wrdreg $0xFFFFFFFF  }
0x39: {  	_ =	task.clear_ibuf [dreg:s7], $0x2FFFF;
	_ =	strace $0x9FFFFFFF  }
0x3a: {  	(tm) =	ssettm $0x7FFFFFFF  }
0x3b: {  	_ =	shalt  }
tec
execute0_lowered:
.L_overlay_start_1:
0x0: {  	(tag) =	ssettag $0x1  }
0x1: {  	s0 =	srdreg.scid  }
0x2: {  	s1 =	sshll.u32 s0, $0x4  }
0x3: {  	s0 =	stileid.u32;
	s1 =	sand.u32 $0x10, s1  }
0x4: {  	s1 =	sor.u32 s0, s1  }
0x5: {  	s6 =	rddreg [dreg:$0x0];
	s4 =	simm.s32 $0x1;
	s2 =	sshll.u32 s1, $0x7  }
0x6: {  	s7 =	simm.s32 $0x2;
	s12 =	simm.s32 $0x0;
	s1 =	ssub.s32 $0x1000, s2  }
0x7: {  	s8 =	simm.s32 $0x8000;
	s13 =	simm.s32 $0x0;
	s3 =	sand.u32 $0xF80, s1  }
0x8: {  	s9 =	simm.s32 $0x0;
	s5 =	sshrl.u32 s1, $0xC;
	p0 =	sne.s32 s3, $0x0  }
.Ltmp0:
0x9: {  	s1 =	rddreg [dreg:$0x2];
	s4 =	simm.s32 @!p0 $0x0;
	(pc) =	sbr.rel .LBB1_1-.Ltmp0, $4  }
0xa: {  	s11 =	simm.s32 $0x0;
	s3 =	rddreg [dreg:$0x1];
	s5 =	sadd.s32 s4, s5  }
0xb: {  	_ =	strace $0x8000004A;
	s4 =	simm.s32 $0x1;
	s5 =	smul.u32 $0xC8, s5  }
0xc: {  	s6 =	sadd.s32 $0xA00, s6;
	s10 =	smov.u32 s2;
	[sflag:s4] =	ssyncpa.u1 $0x0  }
0xd: {  	p0 =	por $0x0, $0x0;
	[sflag:s7] =	ssyncpa.u1 $0x0;
	s7 =	sor.u32 $0x1, s5  }
.LBB1_4:
0xe: {  	s16 =	sshll.u32 s13, $0x3;
	s17 =	sand.u32 $0x78, s13  }
0xf: {  	s30 =	sand.u32 $0x7E00, s13;
	s12 =	sshll.u32 s12, $0xF;
	s16 =	sand.u32 $0xC00, s16  }
0x10: {  	[tilespmem:s15+$0x810 ss:$0x81] =	vst.msk $0xffff, v2;
	s31 =	sand.u32 $0x7, s13;
	s16 =	sor.u32 s17, s16;
	s17 =	sadd.s32 s3, s30  }
0x11: {  	[tilespmem:s15+$0x1020 ss:$0x81] =	vst.msk $0xffff, v0;
	s13 =	sshll.u32 s31, $0x12;
	s12 =	sadd.s32 s12, s17;
	s16 =	sshrl.u32 s16, $0x3  }
0x12: {  	[tilespmem:s15+$0x0 ss:$0x81] =	vst.msk $0xffff, v1;
	s13 =	sor.u32 $0x400, s13;
	s12 =	sadd.s32 s16, s12  }
0x13: {  	[hbm4b:s12+s13] =	stream.strided.scatter [tilespmem:s14], [sflag:$0x2], $0x2000, s8, s13, $0x20;
	[tilespmem:$0x8080] =	vst v63  }
.LBB1_5:
0x14: {  	s14 =	sadd.s32 $0x1, s9  }
0x15: {  	s12 =	sadd.s32 $0x1000, s10;
	s16 =	smov.u32 s10;
	p2 =	sgt.s32 s14, $0xC7  }
0x16: {  	s16 =	smov.u32 @p2 s12  }
0x17: {  	s14 =	simm.s32 @p2 $0x0;
	p2 =	sgt.s32 s16, $0xFFF  }
0x18: {  	s16 =	smov.u32 @p2 s2;
	p2 =	sne.s32 s11, s7  }
.Ltmp1:
0x19: {  	p1 =	slt.u32 s11, $0x2;
	(pc) =	sbr.rel @!p2 .LBB1_6-.Ltmp1, $4  }
0x1a: {  	s15 =	simm.s32 @!p1 $0x2  }
0x1b: {  	s13 =	smov.u32 s10;
	p0 =	por !p0, !p0;
	_ =	swait.ge @!p1 [sflag:s15], $0x2000  }
0x1c: {  	s12 =	smov.u32 s9;
	[sflag:s15] =	ssyncset.done @!p1 $0x0;
	s9 =	smov.u32 s14  }
0x1d: {  	s11 =	sadd.s32 $0x1, s11;
	[sflag:s15] =	ssyncadd.s32 @!p1 $0xFFFFE000;
	s10 =	smov.u32 s16  }
.LBB1_1:
0x1e: {  	p1 =	sge.u32 s11, s5  }
0x1f: {  	s14 =	sand.u32 @!p1 $0x1FFFFFF, s9  }
0x20: {  	s15 =	smulhi.u32 @!p1 $0x147AE15, s14;
	_ =	sdelay $0x1  }
0x21: {  	s15 =	smul.u32 @!p1 $0xC8, s15  }
0x22: {  	s16 =	sxor.u32 @!p1 $0xFFFFFFFF, s11;
	s17 =	smul.u32 @!p1 $0xC80, s10  }
0x23: {  	s31 =	sadd.s32 $0xFFFFFFFF, s11;
	s16 =	sshll.u32 @!p1 s16, $0xD;
	s14 =	ssub.s32 @!p1 s14, s15  }
0x24: {  	s15 =	sand.u32 @!p1 $0x2000, s16;
	s16 =	sadd.s32 @!p1 s6, s17;
	s14 =	sshll.u32 @!p1 s14, $0x4  }
0x25: {  	s17 =	simm.s32 @!p1 $0x6400;
	s14 =	sadd.s32 @!p1 s14, s16;
	s16 =	simm.s32 @!p1 $0x40  }
0x26: {  	[tilespmem:s15], [sflag:$0x1] =	stream.strided.gather @!p1 [hbm4b:s14+s16], $0x2000, s17, s16, $0x38;
	[tilespmem:$0x8080] =	vst v63  }
0x27: {  	p1 =	sge.u32 s31, s5  }
.Ltmp2:
0x28: {  	_ = 	snop;
	(pc) =	sbr.rel @p1 .LBB1_5-.Ltmp2, $1  }
0x29: {  	_ =	sdelay $0x3  }
0x2a: {  	s14 =	simm.s32 $0x1  }
0x2b: {  	_ =	swait.ge [sflag:s4], $0x2000;
	s14 =	simm.s32 @!p0 $0x0  }
0x2c: {  	[sflag:s4] =	ssyncset.done $0x0;
	s15 =	sshll.u32 s14, $0xD  }
0x2d: {  	[sflag:s4] =	ssyncadd.s32 $0xFFFFE000;
	s18 =	sor.u32 $0x20, s15  }
0x2e: {  	s14 =	smul.u32 $0x8100, s14;
	v3 =	vld [tilespmem:s18+$0x10]  }
0x2f: {  	s30 =	sand.u32 $0x1, s11;
	v2 =	vld [tilespmem:s18+$0xFFFFFFF0]  }
0x30: {  	s15 =	smul.u32 $0x8100, s30;
	s14 =	sshrl.u32 s14, $0x2;
	v0 =	vld [tilespmem:s18+$0x0]  }
0x31: {  	v1 =	vld [tilespmem:s18+$0xFFFFFFE0];
	s16 =	sor.u32 $0x4000, s14  }
0x32: {  	s31 =	sshrl.u32 s15, $0x2;
	s15 =	sadd.s32 $0x0, s16  }
0x33: {  	s17 =	simm.s32 $0x4;
	s18 =	sadd.s32 $0x40, s18;
	s14 =	sor.u32 $0x4000, s31;
	[tilespmem:s15+$0x1830 ss:$0x81] =	vst.msk $0xffff, v3  }
.LBB1_3:
0x34: {  	v3 =	vld [tilespmem:s18+$0x10];
	p1 =	sne.s32 s17, $0x1FC;
	[tilespmem:s15+$0x810 ss:$0x81] =	vst.msk $0xffff, v2;
	s19 =	smov.u32 s17;
	s17 =	sadd.s32 $0x4, s17  }
.Ltmp3:
0x35: {  	v2 =	vld [tilespmem:s18+$0xFFFFFFF0];
	[tilespmem:s15+$0x1020 ss:$0x81] =	vst.msk $0xffff, v0;
	(pc) =	sbr.rel @p1 .LBB1_3-.Ltmp3, $4  }
0x36: {  	v0 =	vld [tilespmem:s18+$0x0];
	[tilespmem:s15+$0x0 ss:$0x81] =	vst.msk $0xffff, v1  }
0x37: {  	s15 =	sshra.s32 s19, $0x2;
	v1 =	vld [tilespmem:s18+$0xFFFFFFE0]  }
0x38: {  	s15 =	sadd.s32 s15, s16  }
0x39: {  	s18 =	sadd.s32 $0x40, s18;
	[tilespmem:s15+$0x1830 ss:$0x81] =	vst.msk $0xffff, v3  }
.Ltmp4:
0x3a: {  	_ = 	snop;
	(pc) =	sbr.rel .LBB1_4-.Ltmp4, $1  }
0x3b: {  	_ =	sdelay $0x3  }
.LBB1_6:
0x3c: {  	_ =	sfence.sel $0x180000  }
0x3d: {  	s2 =	simm.s32 $0x1;
	[bflag:$0x0] =	sbarrier.arrive $0xFFFF  }
0x3e: {  	s31 =	simm.s32 $0x2;
	[sflag:s2] =	ssyncpa.u1 $0x1  }
0x3f: {  	[sflag:s31] =	ssyncpa.u1 $0x1  }
0x40: {  	p0 =	sne.s32 s0, $0x0;
	_ =	strace $0x9000004A  }
0x41: {  	s0 =	sadd.s32 @!p0 $0x100000, s1;
	[bflag:$0x2] =	sbarrier.arrive $0xFFFF  }
0x42: {  	[sflag:s0] =	ssyncadd.tile.s32 @!p0 $0x1;
	_ =	shalt  }
.Lfunc_end1:
_tile_overlayer_lowered:
.L_overlay_start_2:
0x43: {  	(tag) =	ssettag $0x2  }
0x44: {  	s0 =	rddreg [dreg:$0x0];
	s2 =	stileid.u32  }
0x45: {  	s1 =	rddreg [dreg:$0x1];
	p0 =	sne.s32 s2, $0x0  }
0x46: {  	s3 =	rddreg [dreg:$0x2];
	[bflag:$0x3] =	sbarrier.arrive $0xFFFF;
	s2 =	simm.s32 @!p0 $0x1C01  }
0x47: {  	[timem:s3], [sflag:s2] =	dma.local @!p0 [hbm:s0], s1  }
0x48: {  	s0 =	simm.s32 @!p0 $0x1  }
0x49: {  	_ =	swait.ge @!p0 [sflag:s0], s1  }
0x4a: {  	s1 =	ssub.s32 @!p0 $0x0, s1;
	[sflag:s0] =	ssyncset.done @!p0 $0x0  }
0x4b: {  	[sflag:s0] =	ssyncadd.s32 @!p0 s1  }
0x4c: {  	[bflag:$0x3] =	sbarrier.arrive $0xFFFF  }
0x4d: {  	_ =	shalt  }

</sc_bundles>
